<compile_context>
chip_gen: v7x
topology: tpu7x:2x2x1
jax: 0.10.2.dev20260603
libtpu: 0.0.44.dev20260713+nightly
codegen_flags: <defaults>
</compile_context>

<pallas_src>
import jax
import jax.numpy as jnp
from jax import lax
from jax.experimental import pallas as pl
from jax.experimental.pallas import tpu as pltpu
from jax.experimental.pallas import tpu_sc as plsc

N = 10000
D = 128
R = 3
E = 100000

NC = 2
NS = 16
NW = NC * NS
B = 128
EDGES = R * E
K0 = 104
K1 = 44
KL = (K0 + 7) // 8 * 8
E_PAD = NS * (K0 + K1) * B
ACC_ROWS = 10240
ZR = ACC_ROWS // NS


def _relation_mm_body(x_ref, w_ref, y_ref):
    y_ref[...] = jax.lax.dot(
        x_ref[...], w_ref[0],
        precision=jax.lax.Precision.HIGHEST,
        preferred_element_type=jnp.float32,
    )


def _relation_table(x, weight):
    return pl.pallas_call(
        _relation_mm_body,
        grid=(R,),
        in_specs=[
            pl.BlockSpec((N, D), lambda r: (0, 0)),
            pl.BlockSpec((1, D, D), lambda r: (r, 0, 0)),
        ],
        out_specs=pl.BlockSpec((N, D), lambda r: (r, 0)),
        out_shape=jax.ShapeDtypeStruct((R * N, D), jnp.float32),
    )(x, weight)


def _unpack_issue(pk_v, j, src_sm, dst_sm, y_hbm, rows, sem):
    for t in range(B // 16):
        v = pk_v[j, pl.ds(t * 16, 16)]
        src_sm[pl.ds(t * 16, 16)] = v & 0x7FFF
        dst_sm[pl.ds(t * 16, 16)] = v >> 15
    pltpu.async_copy(y_hbm.at[src_sm], rows, sem)


def _sc_scatter_body(y_hbm, pk_hbm, zeros_hbm, out_hbm,
                     pk_v, src0, dst0, src1, dst1, rows0, rows1, acc,
                     sem0, sem1):
    cid = lax.axis_index("c")
    sid = lax.axis_index("s")
    wid = sid * NC + cid
    pltpu.sync_copy(zeros_hbm.at[pl.ds(sid * ZR, ZR)],
                    acc.at[pl.ds(sid * ZR, ZR)])
    pltpu.sync_copy(pk_hbm.at[wid], pk_v)
    plsc.subcore_barrier()

    k_lim = jnp.where(cid == 0, K0, K1)

    _unpack_issue(pk_v, 0, src0, dst0, y_hbm, rows0, sem0)
    _unpack_issue(pk_v, 1, src1, dst1, y_hbm, rows1, sem1)

    @pl.loop(0, k_lim, step=2)
    def _(j):
        pltpu.make_async_copy(y_hbm.at[src0], rows0, sem0).wait()
        pltpu.sync_copy(rows0, acc.at[dst0], add=True)

        @pl.when(j + 2 < k_lim)
        def _():
            _unpack_issue(pk_v, j + 2, src0, dst0, y_hbm, rows0, sem0)

        pltpu.make_async_copy(y_hbm.at[src1], rows1, sem1).wait()
        pltpu.sync_copy(rows1, acc.at[dst1], add=True)

        @pl.when(j + 3 < k_lim)
        def _():
            _unpack_issue(pk_v, j + 3, src1, dst1, y_hbm, rows1, sem1)

    plsc.subcore_barrier()
    pltpu.sync_copy(acc.at[pl.ds(sid * ZR, ZR)],
                    out_hbm.at[cid, pl.ds(sid * ZR, ZR)])


def _sc_scatter(y, pk_arr, zeros):
    mesh = plsc.VectorSubcoreMesh(core_axis_name="c", subcore_axis_name="s")
    kern = pl.kernel(
        _sc_scatter_body,
        mesh=mesh,
        out_type=jax.ShapeDtypeStruct((NC, ACC_ROWS, D), jnp.float32),
        scratch_types=[
            pltpu.VMEM((KL, B), jnp.int32),
            pltpu.VMEM((B,), jnp.int32),
            pltpu.VMEM((B,), jnp.int32),
            pltpu.VMEM((B,), jnp.int32),
            pltpu.VMEM((B,), jnp.int32),
            pltpu.VMEM((B, D), jnp.float32),
            pltpu.VMEM((B, D), jnp.float32),
            pltpu.VMEM_SHARED((ACC_ROWS, D), jnp.float32),
            pltpu.SemaphoreType.DMA,
            pltpu.SemaphoreType.DMA,
        ],
    )
    return kern(y, pk_arr, zeros)


def _final_body(x_ref, lw_ref, p0_ref, p1_ref, out_ref):
    out_ref[...] = (
        jax.lax.dot(x_ref[...], lw_ref[...],
                    precision=jax.lax.Precision.HIGHEST,
                    preferred_element_type=jnp.float32)
        + p0_ref[0] + p1_ref[0]
    )


def _final(x, loop_weight, parts):
    bm = 2000
    nb = N // bm
    return pl.pallas_call(
        _final_body,
        grid=(nb,),
        in_specs=[
            pl.BlockSpec((bm, D), lambda i: (i, 0)),
            pl.BlockSpec((D, D), lambda i: (0, 0)),
            pl.BlockSpec((1, bm, D), lambda i: (0, i, 0)),
            pl.BlockSpec((1, bm, D), lambda i: (1, i, 0)),
        ],
        out_specs=pl.BlockSpec((bm, D), lambda i: (i, 0)),
        out_shape=jax.ShapeDtypeStruct((N, D), jnp.float32),
    )(x, loop_weight, parts, parts)


def kernel(x, edge_index, weight, loop_weight):
    src = edge_index[:, 1, :]
    dst = edge_index[:, 0, :]
    src_flat = (src + jnp.arange(R, dtype=jnp.int32)[:, None] * N).reshape(-1)
    dst_flat = dst.reshape(-1)
    pad = E_PAD - EDGES
    pad_dst = N + (jnp.arange(pad, dtype=jnp.int32) % (ACC_ROWS - N))
    src_flat = jnp.concatenate([src_flat, jnp.zeros((pad,), jnp.int32)])
    dst_flat = jnp.concatenate([dst_flat, pad_dst])
    packed = src_flat | (dst_flat << 15)
    pk0 = packed[: NS * K0 * B].reshape(NS, K0, B)
    pk1 = packed[NS * K0 * B:].reshape(NS, K1, B)
    pk0 = jnp.pad(pk0, ((0, 0), (0, KL - K0), (0, 0)),
                  constant_values=N << 15)
    pk1 = jnp.pad(pk1, ((0, 0), (0, KL - K1), (0, 0)),
                  constant_values=N << 15)
    pk_arr = jnp.stack([pk0, pk1], axis=1).reshape(NW, KL, B)
    zeros = jnp.zeros((ACC_ROWS, D), jnp.float32)

    y = _relation_table(x, weight)
    parts = _sc_scatter(y, pk_arr, zeros)
    return _final(x, loop_weight, parts)

# --- scband reference (transcript-rebuilt; emitter-appended) ---
"""Pipeline reference for scband-rgcnconv-56684978372939 (READ-ONLY COPY).

The authoritative reference and input builder live on the scoring server;
editing this copy changes nothing except your own understanding.
"""

import jax, jax.numpy as jnp
import numpy as np

N = 10000
D_IN = 128
D_OUT = 128
R = 3
E = 100000


def setup_inputs(seed: int = 0) -> dict:
    key = jax.random.key(seed)
    k1, k2, k3, k4 = jax.random.split(key, 4)
    x = jax.random.normal(k1, (N, D_IN), dtype=jnp.float32)
    # edge_index[r, 0, :] = destination (row) nodes, edge_index[r, 1, :] = source (col) nodes
    edge_index = jax.random.randint(k2, (R, 2, E), 0, N, dtype=jnp.int32)
    # xavier-uniform-like init for parameters
    limit_w = float(np.sqrt(6.0 / (D_IN + D_OUT)))
    weight = jax.random.uniform(k3, (R, D_IN, D_OUT), dtype=jnp.float32, minval=-limit_w, maxval=limit_w)
    loop_weight = jax.random.uniform(k4, (D_IN, D_OUT), dtype=jnp.float32, minval=-limit_w, maxval=limit_w)
    return {"x": x, "edge_index": edge_index, "weight": weight, "loop_weight": loop_weight}


def reference(x, edge_index, weight, loop_weight):
    # self-loop transform
    out = jnp.matmul(x, loop_weight)
    # per-relation sparse mm (adj @ x) emulated as gather + segment-sum, then dense matmul
    for r in range(R):
        dst = edge_index[r, 0]
        src = edge_index[r, 1]
        gathered = jnp.take(x, src, axis=0)          # gather source node features
        msg = jax.ops.segment_sum(gathered, dst, num_segments=N)  # scatter-add to dst rows
        out = out + jnp.matmul(msg, weight[r])
    return out

if __name__ == "__main__":
    import jax
    _d = setup_inputs()
    print(jax.jit(kernel)(*tuple(_d.values())))

</pallas_src>

<mosaic_0001>
#map = affine_map<(d0, d1) -> (0, 0)>
#map1 = affine_map<(d0, d1) -> (0, 0, 0)>
module attributes {stable_mosaic.version = 14 : i64} {
  func.func @_sc_scatter_body(%arg0: i32, %arg1: i32, %arg2: memref<30000x128xf32, #tpu.memory_space<hbm>>, %arg3: memref<32x104x128xi32, #tpu.memory_space<hbm>>, %arg4: memref<10240x128xf32, #tpu.memory_space<hbm>>, %arg5: memref<2x10240x128xf32, #tpu.memory_space<hbm>>, %arg6: memref<104x128xi32, #tpu.memory_space<vmem>>, %arg7: memref<128xi32, #tpu.memory_space<vmem>>, %arg8: memref<128xi32, #tpu.memory_space<vmem>>, %arg9: memref<128xi32, #tpu.memory_space<vmem>>, %arg10: memref<128xi32, #tpu.memory_space<vmem>>, %arg11: memref<128x128xf32, #tpu.memory_space<vmem>>, %arg12: memref<128x128xf32, #tpu.memory_space<vmem>>, %arg13: memref<10240x128xf32, #tpu.memory_space<vmem_shared>>, %arg14: memref<!tpu.dma_semaphore, #tpu.memory_space<semaphore_mem>>, %arg15: memref<!tpu.dma_semaphore, #tpu.memory_space<semaphore_mem>>) attributes {dimension_semantics = [#tpu.dimension_semantics<core_parallel>, #tpu.dimension_semantics<subcore_parallel>], iteration_bounds = array<i64: 2, 16>, scalar_prefetch = 0 : i64, scratch_operands = 10 : i64, tpu.core_type = #tpu.core_type<sc_vector_subcore>, window_params = [{transform_indices = #map}, {transform_indices = #map1}, {transform_indices = #map}, {transform_indices = #map1}]} {
    %mul3A = arith.constant 2 : i32
    %mul3A_0 = arith.muli %arg1, %mul3A : i32
    %add3A = arith.addi %mul3A_0, %arg0 : i32
    %mul3A_1 = arith.constant 640 : i32
    %mul3A_2 = arith.muli %arg1, %mul3A_1 : i32
    %mul3A_3 = arith.constant 640 : i32
    %mul3A_4 = arith.muli %arg1, %mul3A_3 : i32
    "tpu.region"() ({
      %run_scoped3A = tpu.sem_alloc : memref<!tpu.dma_semaphore, #tpu.memory_space<semaphore_mem>>
      %dma_start3A_333 = arith.constant 0 : i32
      %dma_start3A_334 = tpu.memref_slice %arg13[%mul3A_4, %dma_start3A_333] : memref<10240x128xf32, #tpu.memory_space<vmem_shared>> -> memref<640x128xf32, #tpu.memory_space<vmem_shared>>
      %dma_start3A_335 = arith.constant 0 : i32
      %dma_start3A_336 = tpu.memref_slice %arg4[%mul3A_2, %dma_start3A_335] : memref<10240x128xf32, #tpu.memory_space<hbm>> -> memref<640x128xf32, #tpu.memory_space<hbm>>
      tpu.enqueue_dma source(%dma_start3A_336 : memref<640x128xf32, #tpu.memory_space<hbm>>) target(%dma_start3A_334 : memref<640x128xf32, #tpu.memory_space<vmem_shared>>) target_semaphore(%run_scoped3A : memref<!tpu.dma_semaphore, #tpu.memory_space<semaphore_mem>>)
      %dma_wait3A = arith.constant 0 : i32
      %dma_wait3A_337 = tpu.memref_slice %arg13[%mul3A_4, %dma_wait3A] : memref<10240x128xf32, #tpu.memory_space<vmem_shared>> -> memref<640x128xf32, #tpu.memory_space<vmem_shared>>
      %dma_wait3A_338 = arith.constant 0 : i32
      %dma_wait3A_339 = tpu.memref_slice %arg4[%mul3A_2, %dma_wait3A_338] : memref<10240x128xf32, #tpu.memory_space<hbm>> -> memref<640x128xf32, #tpu.memory_space<hbm>>
      tpu.wait_dma2 semaphore(%run_scoped3A : memref<!tpu.dma_semaphore, #tpu.memory_space<semaphore_mem>>) src(%dma_wait3A_339 : memref<640x128xf32, #tpu.memory_space<hbm>>) dst(%dma_wait3A_337 : memref<640x128xf32, #tpu.memory_space<vmem_shared>>)
      tpu.yield
    }) : () -> ()
    "tpu.region"() ({
      %run_scoped3A = tpu.sem_alloc : memref<!tpu.dma_semaphore, #tpu.memory_space<semaphore_mem>>
      %dma_start3A_333 = arith.constant 0 : i32
      %dma_start3A_334 = arith.constant 0 : i32
      %dma_start3A_335 = tpu.memref_slice %arg3[%add3A, %dma_start3A_333, %dma_start3A_334] : memref<32x104x128xi32, #tpu.memory_space<hbm>> -> memref<1x104x128xi32, #tpu.memory_space<hbm>>
      %dma_start3A_336 = tpu.memref_squeeze %dma_start3A_335 : memref<1x104x128xi32, #tpu.memory_space<hbm>> -> memref<104x128xi32, #tpu.memory_space<hbm>>
      %dma_start3A_337 = arith.constant 0 : i32
      %dma_start3A_338 = arith.constant 0 : i32
      %dma_start3A_339 = tpu.memref_slice %arg3[%add3A, %dma_start3A_337, %dma_start3A_338] : memref<32x104x128xi32, #tpu.memory_space<hbm>> -> memref<1x104x128xi32, #tpu.memory_space<hbm>>
      %dma_start3A_340 = tpu.memref_squeeze %dma_start3A_339 : memref<1x104x128xi32, #tpu.memory_space<hbm>> -> memref<104x128xi32, #tpu.memory_space<hbm>>
      tpu.enqueue_dma source(%dma_start3A_340 : memref<104x128xi32, #tpu.memory_space<hbm>>) target(%arg6 : memref<104x128xi32, #tpu.memory_space<vmem>>) target_semaphore(%run_scoped3A : memref<!tpu.dma_semaphore, #tpu.memory_space<semaphore_mem>>)
      %dma_wait3A = arith.constant 0 : i32
      %dma_wait3A_341 = arith.constant 0 : i32
      %dma_wait3A_342 = tpu.memref_slice %arg3[%add3A, %dma_wait3A, %dma_wait3A_341] : memref<32x104x128xi32, #tpu.memory_space<hbm>> -> memref<1x104x128xi32, #tpu.memory_space<hbm>>
      %dma_wait3A_343 = tpu.memref_squeeze %dma_wait3A_342 : memref<1x104x128xi32, #tpu.memory_space<hbm>> -> memref<104x128xi32, #tpu.memory_space<hbm>>
      %dma_wait3A_344 = arith.constant 0 : i32
      %dma_wait3A_345 = arith.constant 0 : i32
      %dma_wait3A_346 = tpu.memref_slice %arg3[%add3A, %dma_wait3A_344, %dma_wait3A_345] : memref<32x104x128xi32, #tpu.memory_space<hbm>> -> memref<1x104x128xi32, #tpu.memory_space<hbm>>
      %dma_wait3A_347 = tpu.memref_squeeze %dma_wait3A_346 : memref<1x104x128xi32, #tpu.memory_space<hbm>> -> memref<104x128xi32, #tpu.memory_space<hbm>>
      tpu.wait_dma2 semaphore(%run_scoped3A : memref<!tpu.dma_semaphore, #tpu.memory_space<semaphore_mem>>) src(%dma_wait3A_347 : memref<104x128xi32, #tpu.memory_space<hbm>>) dst(%arg6 : memref<104x128xi32, #tpu.memory_space<vmem>>)
      tpu.yield
    }) : () -> ()
    %barrier3A = arith.constant 0 : index
    tpu.barrier barrier_id(%barrier3A)
    %eq3A = arith.constant 0 : i32
    %eq3A_5 = arith.cmpi eq, %arg0, %eq3A : i32
    %jit3A = arith.constant 104 : i32
    %jit3A_6 = arith.constant 44 : i32
    %select_n3A = arith.select %eq3A_5, %jit3A, %jit3A_6 : i32
    %get3A = arith.constant 0 : i32
    %get3A_7 = arith.index_cast %get3A : i32 to index
    %get3A_8 = arith.constant 0 : index
    %get3A_9 = tpu.vector_load %arg6[%get3A_7, %get3A_8] {strides = array<i32>} : memref<104x128xi32, #tpu.memory_space<vmem>>, vector<1x16xi32>,
    %get3A_10 = vector.shape_cast %get3A_9 : vector<1x16xi32> to vector<16xi32>
    %and3A = arith.constant 32767 : i32
    %and3A_11 = vector.broadcast %and3A : i32 to vector<16xi32>
    %and3A_12 = arith.andi %get3A_10, %and3A_11 : vector<16xi32>
    %swap3A = arith.constant 0 : index
    %swap3A_13 = tpu.vector_load %arg7[%swap3A] {strides = array<i32>} : memref<128xi32, #tpu.memory_space<vmem>>, vector<16xi32>,
    %swap3A_14 = vector.shape_cast %swap3A_13 : vector<16xi32> to vector<16xi32>
    %swap3A_15 = vector.shape_cast %and3A_12 : vector<16xi32> to vector<16xi32>
    tpu.vector_store %arg7[%swap3A], %swap3A_15 {strides = array<i32>} : memref<128xi32, #tpu.memory_space<vmem>>, vector<16xi32>,
    %shift_right_arithmetic3A = arith.constant 15 : i32
    %shift_right_arithmetic3A_16 = vector.broadcast %shift_right_arithmetic3A : i32 to vector<16xi32>
    %shift_right_arithmetic3A_17 = arith.shrsi %get3A_10, %shift_right_arithmetic3A_16 : vector<16xi32>
    %swap3A_18 = arith.constant 0 : index
    %swap3A_19 = tpu.vector_load %arg8[%swap3A_18] {strides = array<i32>} : memref<128xi32, #tpu.memory_space<vmem>>, vector<16xi32>,
    %swap3A_20 = vector.shape_cast %swap3A_19 : vector<16xi32> to vector<16xi32>
    %swap3A_21 = vector.shape_cast %shift_right_arithmetic3A_17 : vector<16xi32> to vector<16xi32>
    tpu.vector_store %arg8[%swap3A_18], %swap3A_21 {strides = array<i32>} : memref<128xi32, #tpu.memory_space<vmem>>, vector<16xi32>,
    %get3A_22 = arith.constant 0 : i32
    %get3A_23 = arith.index_cast %get3A_22 : i32 to index
    %get3A_24 = arith.constant 16 : index
    %get3A_25 = tpu.vector_load %arg6[%get3A_23, %get3A_24] {strides = array<i32>} : memref<104x128xi32, #tpu.memory_space<vmem>>, vector<1x16xi32>,
    %get3A_26 = vector.shape_cast %get3A_25 : vector<1x16xi32> to vector<16xi32>
    %and3A_27 = arith.constant 32767 : i32
    %and3A_28 = vector.broadcast %and3A_27 : i32 to vector<16xi32>
    %and3A_29 = arith.andi %get3A_26, %and3A_28 : vector<16xi32>
    %swap3A_30 = arith.constant 16 : index
    %swap3A_31 = tpu.vector_load %arg7[%swap3A_30] {strides = array<i32>} : memref<128xi32, #tpu.memory_space<vmem>>, vector<16xi32>,
    %swap3A_32 = vector.shape_cast %swap3A_31 : vector<16xi32> to vector<16xi32>
    %swap3A_33 = vector.shape_cast %and3A_29 : vector<16xi32> to vector<16xi32>
    tpu.vector_store %arg7[%swap3A_30], %swap3A_33 {strides = array<i32>} : memref<128xi32, #tpu.memory_space<vmem>>, vector<16xi32>,
    %shift_right_arithmetic3A_34 = arith.constant 15 : i32
    %shift_right_arithmetic3A_35 = vector.broadcast %shift_right_arithmetic3A_34 : i32 to vector<16xi32>
    %shift_right_arithmetic3A_36 = arith.shrsi %get3A_26, %shift_right_arithmetic3A_35 : vector<16xi32>
    %swap3A_37 = arith.constant 16 : index
    %swap3A_38 = tpu.vector_load %arg8[%swap3A_37] {strides = array<i32>} : memref<128xi32, #tpu.memory_space<vmem>>, vector<16xi32>,
    %swap3A_39 = vector.shape_cast %swap3A_38 : vector<16xi32> to vector<16xi32>
    %swap3A_40 = vector.shape_cast %shift_right_arithmetic3A_36 : vector<16xi32> to vector<16xi32>
    tpu.vector_store %arg8[%swap3A_37], %swap3A_40 {strides = array<i32>} : memref<128xi32, #tpu.memory_space<vmem>>, vector<16xi32>,
    %get3A_41 = arith.constant 0 : i32
    %get3A_42 = arith.index_cast %get3A_41 : i32 to index
    %get3A_43 = arith.constant 32 : index
    %get3A_44 = tpu.vector_load %arg6[%get3A_42, %get3A_43] {strides = array<i32>} : memref<104x128xi32, #tpu.memory_space<vmem>>, vector<1x16xi32>,
    %get3A_45 = vector.shape_cast %get3A_44 : vector<1x16xi32> to vector<16xi32>
    %and3A_46 = arith.constant 32767 : i32
    %and3A_47 = vector.broadcast %and3A_46 : i32 to vector<16xi32>
    %and3A_48 = arith.andi %get3A_45, %and3A_47 : vector<16xi32>
    %swap3A_49 = arith.constant 32 : index
    %swap3A_50 = tpu.vector_load %arg7[%swap3A_49] {strides = array<i32>} : memref<128xi32, #tpu.memory_space<vmem>>, vector<16xi32>,
    %swap3A_51 = vector.shape_cast %swap3A_50 : vector<16xi32> to vector<16xi32>
    %swap3A_52 = vector.shape_cast %and3A_48 : vector<16xi32> to vector<16xi32>
    tpu.vector_store %arg7[%swap3A_49], %swap3A_52 {strides = array<i32>} : memref<128xi32, #tpu.memory_space<vmem>>, vector<16xi32>,
    %shift_right_arithmetic3A_53 = arith.constant 15 : i32
    %shift_right_arithmetic3A_54 = vector.broadcast %shift_right_arithmetic3A_53 : i32 to vector<16xi32>
    %shift_right_arithmetic3A_55 = arith.shrsi %get3A_45, %shift_right_arithmetic3A_54 : vector<16xi32>
    %swap3A_56 = arith.constant 32 : index
    %swap3A_57 = tpu.vector_load %arg8[%swap3A_56] {strides = array<i32>} : memref<128xi32, #tpu.memory_space<vmem>>, vector<16xi32>,
    %swap3A_58 = vector.shape_cast %swap3A_57 : vector<16xi32> to vector<16xi32>
    %swap3A_59 = vector.shape_cast %shift_right_arithmetic3A_55 : vector<16xi32> to vector<16xi32>
    tpu.vector_store %arg8[%swap3A_56], %swap3A_59 {strides = array<i32>} : memref<128xi32, #tpu.memory_space<vmem>>, vector<16xi32>,
    %get3A_60 = arith.constant 0 : i32
    %get3A_61 = arith.index_cast %get3A_60 : i32 to index
    %get3A_62 = arith.constant 48 : index
    %get3A_63 = tpu.vector_load %arg6[%get3A_61, %get3A_62] {strides = array<i32>} : memref<104x128xi32, #tpu.memory_space<vmem>>, vector<1x16xi32>,
    %get3A_64 = vector.shape_cast %get3A_63 : vector<1x16xi32> to vector<16xi32>
    %and3A_65 = arith.constant 32767 : i32
    %and3A_66 = vector.broadcast %and3A_65 : i32 to vector<16xi32>
    %and3A_67 = arith.andi %get3A_64, %and3A_66 : vector<16xi32>
    %swap3A_68 = arith.constant 48 : index
    %swap3A_69 = tpu.vector_load %arg7[%swap3A_68] {strides = array<i32>} : memref<128xi32, #tpu.memory_space<vmem>>, vector<16xi32>,
    %swap3A_70 = vector.shape_cast %swap3A_69 : vector<16xi32> to vector<16xi32>
    %swap3A_71 = vector.shape_cast %and3A_67 : vector<16xi32> to vector<16xi32>
    tpu.vector_store %arg7[%swap3A_68], %swap3A_71 {strides = array<i32>} : memref<128xi32, #tpu.memory_space<vmem>>, vector<16xi32>,
    %shift_right_arithmetic3A_72 = arith.constant 15 : i32
    %shift_right_arithmetic3A_73 = vector.broadcast %shift_right_arithmetic3A_72 : i32 to vector<16xi32>
    %shift_right_arithmetic3A_74 = arith.shrsi %get3A_64, %shift_right_arithmetic3A_73 : vector<16xi32>
    %swap3A_75 = arith.constant 48 : index
    %swap3A_76 = tpu.vector_load %arg8[%swap3A_75] {strides = array<i32>} : memref<128xi32, #tpu.memory_space<vmem>>, vector<16xi32>,
    %swap3A_77 = vector.shape_cast %swap3A_76 : vector<16xi32> to vector<16xi32>
    %swap3A_78 = vector.shape_cast %shift_right_arithmetic3A_74 : vector<16xi32> to vector<16xi32>
    tpu.vector_store %arg8[%swap3A_75], %swap3A_78 {strides = array<i32>} : memref<128xi32, #tpu.memory_space<vmem>>, vector<16xi32>,
    %get3A_79 = arith.constant 0 : i32
    %get3A_80 = arith.index_cast %get3A_79 : i32 to index
    %get3A_81 = arith.constant 64 : index
    %get3A_82 = tpu.vector_load %arg6[%get3A_80, %get3A_81] {strides = array<i32>} : memref<104x128xi32, #tpu.memory_space<vmem>>, vector<1x16xi32>,
    %get3A_83 = vector.shape_cast %get3A_82 : vector<1x16xi32> to vector<16xi32>
    %and3A_84 = arith.constant 32767 : i32
    %and3A_85 = vector.broadcast %and3A_84 : i32 to vector<16xi32>
    %and3A_86 = arith.andi %get3A_83, %and3A_85 : vector<16xi32>
    %swap3A_87 = arith.constant 64 : index
    %swap3A_88 = tpu.vector_load %arg7[%swap3A_87] {strides = array<i32>} : memref<128xi32, #tpu.memory_space<vmem>>, vector<16xi32>,
    %swap3A_89 = vector.shape_cast %swap3A_88 : vector<16xi32> to vector<16xi32>
    %swap3A_90 = vector.shape_cast %and3A_86 : vector<16xi32> to vector<16xi32>
    tpu.vector_store %arg7[%swap3A_87], %swap3A_90 {strides = array<i32>} : memref<128xi32, #tpu.memory_space<vmem>>, vector<16xi32>,
    %shift_right_arithmetic3A_91 = arith.constant 15 : i32
    %shift_right_arithmetic3A_92 = vector.broadcast %shift_right_arithmetic3A_91 : i32 to vector<16xi32>
    %shift_right_arithmetic3A_93 = arith.shrsi %get3A_83, %shift_right_arithmetic3A_92 : vector<16xi32>
    %swap3A_94 = arith.constant 64 : index
    %swap3A_95 = tpu.vector_load %arg8[%swap3A_94] {strides = array<i32>} : memref<128xi32, #tpu.memory_space<vmem>>, vector<16xi32>,
    %swap3A_96 = vector.shape_cast %swap3A_95 : vector<16xi32> to vector<16xi32>
    %swap3A_97 = vector.shape_cast %shift_right_arithmetic3A_93 : vector<16xi32> to vector<16xi32>
    tpu.vector_store %arg8[%swap3A_94], %swap3A_97 {strides = array<i32>} : memref<128xi32, #tpu.memory_space<vmem>>, vector<16xi32>,
    %get3A_98 = arith.constant 0 : i32
    %get3A_99 = arith.index_cast %get3A_98 : i32 to index
    %get3A_100 = arith.constant 80 : index
    %get3A_101 = tpu.vector_load %arg6[%get3A_99, %get3A_100] {strides = array<i32>} : memref<104x128xi32, #tpu.memory_space<vmem>>, vector<1x16xi32>,
    %get3A_102 = vector.shape_cast %get3A_101 : vector<1x16xi32> to vector<16xi32>
    %and3A_103 = arith.constant 32767 : i32
    %and3A_104 = vector.broadcast %and3A_103 : i32 to vector<16xi32>
    %and3A_105 = arith.andi %get3A_102, %and3A_104 : vector<16xi32>
    %swap3A_106 = arith.constant 80 : index
    %swap3A_107 = tpu.vector_load %arg7[%swap3A_106] {strides = array<i32>} : memref<128xi32, #tpu.memory_space<vmem>>, vector<16xi32>,
    %swap3A_108 = vector.shape_cast %swap3A_107 : vector<16xi32> to vector<16xi32>
    %swap3A_109 = vector.shape_cast %and3A_105 : vector<16xi32> to vector<16xi32>
    tpu.vector_store %arg7[%swap3A_106], %swap3A_109 {strides = array<i32>} : memref<128xi32, #tpu.memory_space<vmem>>, vector<16xi32>,
    %shift_right_arithmetic3A_110 = arith.constant 15 : i32
    %shift_right_arithmetic3A_111 = vector.broadcast %shift_right_arithmetic3A_110 : i32 to vector<16xi32>
    %shift_right_arithmetic3A_112 = arith.shrsi %get3A_102, %shift_right_arithmetic3A_111 : vector<16xi32>
    %swap3A_113 = arith.constant 80 : index
    %swap3A_114 = tpu.vector_load %arg8[%swap3A_113] {strides = array<i32>} : memref<128xi32, #tpu.memory_space<vmem>>, vector<16xi32>,
    %swap3A_115 = vector.shape_cast %swap3A_114 : vector<16xi32> to vector<16xi32>
    %swap3A_116 = vector.shape_cast %shift_right_arithmetic3A_112 : vector<16xi32> to vector<16xi32>
    tpu.vector_store %arg8[%swap3A_113], %swap3A_116 {strides = array<i32>} : memref<128xi32, #tpu.memory_space<vmem>>, vector<16xi32>,
    %get3A_117 = arith.constant 0 : i32
    %get3A_118 = arith.index_cast %get3A_117 : i32 to index
    %get3A_119 = arith.constant 96 : index
    %get3A_120 = tpu.vector_load %arg6[%get3A_118, %get3A_119] {strides = array<i32>} : memref<104x128xi32, #tpu.memory_space<vmem>>, vector<1x16xi32>,
    %get3A_121 = vector.shape_cast %get3A_120 : vector<1x16xi32> to vector<16xi32>
    %and3A_122 = arith.constant 32767 : i32
    %and3A_123 = vector.broadcast %and3A_122 : i32 to vector<16xi32>
    %and3A_124 = arith.andi %get3A_121, %and3A_123 : vector<16xi32>
    %swap3A_125 = arith.constant 96 : index
    %swap3A_126 = tpu.vector_load %arg7[%swap3A_125] {strides = array<i32>} : memref<128xi32, #tpu.memory_space<vmem>>, vector<16xi32>,
    %swap3A_127 = vector.shape_cast %swap3A_126 : vector<16xi32> to vector<16xi32>
    %swap3A_128 = vector.shape_cast %and3A_124 : vector<16xi32> to vector<16xi32>
    tpu.vector_store %arg7[%swap3A_125], %swap3A_128 {strides = array<i32>} : memref<128xi32, #tpu.memory_space<vmem>>, vector<16xi32>,
    %shift_right_arithmetic3A_129 = arith.constant 15 : i32
    %shift_right_arithmetic3A_130 = vector.broadcast %shift_right_arithmetic3A_129 : i32 to vector<16xi32>
    %shift_right_arithmetic3A_131 = arith.shrsi %get3A_121, %shift_right_arithmetic3A_130 : vector<16xi32>
    %swap3A_132 = arith.constant 96 : index
    %swap3A_133 = tpu.vector_load %arg8[%swap3A_132] {strides = array<i32>} : memref<128xi32, #tpu.memory_space<vmem>>, vector<16xi32>,
    %swap3A_134 = vector.shape_cast %swap3A_133 : vector<16xi32> to vector<16xi32>
    %swap3A_135 = vector.shape_cast %shift_right_arithmetic3A_131 : vector<16xi32> to vector<16xi32>
    tpu.vector_store %arg8[%swap3A_132], %swap3A_135 {strides = array<i32>} : memref<128xi32, #tpu.memory_space<vmem>>, vector<16xi32>,
    %get3A_136 = arith.constant 0 : i32
    %get3A_137 = arith.index_cast %get3A_136 : i32 to index
    %get3A_138 = arith.constant 112 : index
    %get3A_139 = tpu.vector_load %arg6[%get3A_137, %get3A_138] {strides = array<i32>} : memref<104x128xi32, #tpu.memory_space<vmem>>, vector<1x16xi32>,
    %get3A_140 = vector.shape_cast %get3A_139 : vector<1x16xi32> to vector<16xi32>
    %and3A_141 = arith.constant 32767 : i32
    %and3A_142 = vector.broadcast %and3A_141 : i32 to vector<16xi32>
    %and3A_143 = arith.andi %get3A_140, %and3A_142 : vector<16xi32>
    %swap3A_144 = arith.constant 112 : index
    %swap3A_145 = tpu.vector_load %arg7[%swap3A_144] {strides = array<i32>} : memref<128xi32, #tpu.memory_space<vmem>>, vector<16xi32>,
    %swap3A_146 = vector.shape_cast %swap3A_145 : vector<16xi32> to vector<16xi32>
    %swap3A_147 = vector.shape_cast %and3A_143 : vector<16xi32> to vector<16xi32>
    tpu.vector_store %arg7[%swap3A_144], %swap3A_147 {strides = array<i32>} : memref<128xi32, #tpu.memory_space<vmem>>, vector<16xi32>,
    %shift_right_arithmetic3A_148 = arith.constant 15 : i32
    %shift_right_arithmetic3A_149 = vector.broadcast %shift_right_arithmetic3A_148 : i32 to vector<16xi32>
    %shift_right_arithmetic3A_150 = arith.shrsi %get3A_140, %shift_right_arithmetic3A_149 : vector<16xi32>
    %swap3A_151 = arith.constant 112 : index
    %swap3A_152 = tpu.vector_load %arg8[%swap3A_151] {strides = array<i32>} : memref<128xi32, #tpu.memory_space<vmem>>, vector<16xi32>,
    %swap3A_153 = vector.shape_cast %swap3A_152 : vector<16xi32> to vector<16xi32>
    %swap3A_154 = vector.shape_cast %shift_right_arithmetic3A_150 : vector<16xi32> to vector<16xi32>
    tpu.vector_store %arg8[%swap3A_151], %swap3A_154 {strides = array<i32>} : memref<128xi32, #tpu.memory_space<vmem>>, vector<16xi32>,
    %dma_start3A = arith.constant 0 : i32
    %dma_start3A_155 = arith.constant 0 : i32
    %dma_start3A_156 = tpu.memref_slice %arg2[%dma_start3A, %dma_start3A_155] : memref<30000x128xf32, #tpu.memory_space<hbm>> -> memref<30000x128xf32, #tpu.memory_space<hbm>>
    tpu.enqueue_indirect_dma source(%dma_start3A_156 : memref<30000x128xf32, #tpu.memory_space<hbm>>) target(%arg11 : memref<128x128xf32, #tpu.memory_space<vmem>>) offsets(%arg7 : memref<128xi32, #tpu.memory_space<vmem>>) semaphore(%arg14 : memref<!tpu.dma_semaphore, #tpu.memory_space<semaphore_mem>>)
    %get3A_157 = arith.constant 1 : i32
    %get3A_158 = arith.index_cast %get3A_157 : i32 to index
    %get3A_159 = arith.constant 0 : index
    %get3A_160 = tpu.vector_load %arg6[%get3A_158, %get3A_159] {strides = array<i32>} : memref<104x128xi32, #tpu.memory_space<vmem>>, vector<1x16xi32>,
    %get3A_161 = vector.shape_cast %get3A_160 : vector<1x16xi32> to vector<16xi32>
    %and3A_162 = arith.constant 32767 : i32
    %and3A_163 = vector.broadcast %and3A_162 : i32 to vector<16xi32>
    %and3A_164 = arith.andi %get3A_161, %and3A_163 : vector<16xi32>
    %swap3A_165 = arith.constant 0 : index
    %swap3A_166 = tpu.vector_load %arg9[%swap3A_165] {strides = array<i32>} : memref<128xi32, #tpu.memory_space<vmem>>, vector<16xi32>,
    %swap3A_167 = vector.shape_cast %swap3A_166 : vector<16xi32> to vector<16xi32>
    %swap3A_168 = vector.shape_cast %and3A_164 : vector<16xi32> to vector<16xi32>
    tpu.vector_store %arg9[%swap3A_165], %swap3A_168 {strides = array<i32>} : memref<128xi32, #tpu.memory_space<vmem>>, vector<16xi32>,
    %shift_right_arithmetic3A_169 = arith.constant 15 : i32
    %shift_right_arithmetic3A_170 = vector.broadcast %shift_right_arithmetic3A_169 : i32 to vector<16xi32>
    %shift_right_arithmetic3A_171 = arith.shrsi %get3A_161, %shift_right_arithmetic3A_170 : vector<16xi32>
    %swap3A_172 = arith.constant 0 : index
    %swap3A_173 = tpu.vector_load %arg10[%swap3A_172] {strides = array<i32>} : memref<128xi32, #tpu.memory_space<vmem>>, vector<16xi32>,
    %swap3A_174 = vector.shape_cast %swap3A_173 : vector<16xi32> to vector<16xi32>
    %swap3A_175 = vector.shape_cast %shift_right_arithmetic3A_171 : vector<16xi32> to vector<16xi32>
    tpu.vector_store %arg10[%swap3A_172], %swap3A_175 {strides = array<i32>} : memref<128xi32, #tpu.memory_space<vmem>>, vector<16xi32>,
    %get3A_176 = arith.constant 1 : i32
    %get3A_177 = arith.index_cast %get3A_176 : i32 to index
    %get3A_178 = arith.constant 16 : index
    %get3A_179 = tpu.vector_load %arg6[%get3A_177, %get3A_178] {strides = array<i32>} : memref<104x128xi32, #tpu.memory_space<vmem>>, vector<1x16xi32>,
    %get3A_180 = vector.shape_cast %get3A_179 : vector<1x16xi32> to vector<16xi32>
    %and3A_181 = arith.constant 32767 : i32
    %and3A_182 = vector.broadcast %and3A_181 : i32 to vector<16xi32>
    %and3A_183 = arith.andi %get3A_180, %and3A_182 : vector<16xi32>
    %swap3A_184 = arith.constant 16 : index
    %swap3A_185 = tpu.vector_load %arg9[%swap3A_184] {strides = array<i32>} : memref<128xi32, #tpu.memory_space<vmem>>, vector<16xi32>,
    %swap3A_186 = vector.shape_cast %swap3A_185 : vector<16xi32> to vector<16xi32>
    %swap3A_187 = vector.shape_cast %and3A_183 : vector<16xi32> to vector<16xi32>
    tpu.vector_store %arg9[%swap3A_184], %swap3A_187 {strides = array<i32>} : memref<128xi32, #tpu.memory_space<vmem>>, vector<16xi32>,
    %shift_right_arithmetic3A_188 = arith.constant 15 : i32
    %shift_right_arithmetic3A_189 = vector.broadcast %shift_right_arithmetic3A_188 : i32 to vector<16xi32>
    %shift_right_arithmetic3A_190 = arith.shrsi %get3A_180, %shift_right_arithmetic3A_189 : vector<16xi32>
    %swap3A_191 = arith.constant 16 : index
    %swap3A_192 = tpu.vector_load %arg10[%swap3A_191] {strides = array<i32>} : memref<128xi32, #tpu.memory_space<vmem>>, vector<16xi32>,
    %swap3A_193 = vector.shape_cast %swap3A_192 : vector<16xi32> to vector<16xi32>
    %swap3A_194 = vector.shape_cast %shift_right_arithmetic3A_190 : vector<16xi32> to vector<16xi32>
    tpu.vector_store %arg10[%swap3A_191], %swap3A_194 {strides = array<i32>} : memref<128xi32, #tpu.memory_space<vmem>>, vector<16xi32>,
    %get3A_195 = arith.constant 1 : i32
    %get3A_196 = arith.index_cast %get3A_195 : i32 to index
    %get3A_197 = arith.constant 32 : index
    %get3A_198 = tpu.vector_load %arg6[%get3A_196, %get3A_197] {strides = array<i32>} : memref<104x128xi32, #tpu.memory_space<vmem>>, vector<1x16xi32>,
    %get3A_199 = vector.shape_cast %get3A_198 : vector<1x16xi32> to vector<16xi32>
    %and3A_200 = arith.constant 32767 : i32
    %and3A_201 = vector.broadcast %and3A_200 : i32 to vector<16xi32>
    %and3A_202 = arith.andi %get3A_199, %and3A_201 : vector<16xi32>
    %swap3A_203 = arith.constant 32 : index
    %swap3A_204 = tpu.vector_load %arg9[%swap3A_203] {strides = array<i32>} : memref<128xi32, #tpu.memory_space<vmem>>, vector<16xi32>,
    %swap3A_205 = vector.shape_cast %swap3A_204 : vector<16xi32> to vector<16xi32>
    %swap3A_206 = vector.shape_cast %and3A_202 : vector<16xi32> to vector<16xi32>
    tpu.vector_store %arg9[%swap3A_203], %swap3A_206 {strides = array<i32>} : memref<128xi32, #tpu.memory_space<vmem>>, vector<16xi32>,
    %shift_right_arithmetic3A_207 = arith.constant 15 : i32
    %shift_right_arithmetic3A_208 = vector.broadcast %shift_right_arithmetic3A_207 : i32 to vector<16xi32>
    %shift_right_arithmetic3A_209 = arith.shrsi %get3A_199, %shift_right_arithmetic3A_208 : vector<16xi32>
    %swap3A_210 = arith.constant 32 : index
    %swap3A_211 = tpu.vector_load %arg10[%swap3A_210] {strides = array<i32>} : memref<128xi32, #tpu.memory_space<vmem>>, vector<16xi32>,
    %swap3A_212 = vector.shape_cast %swap3A_211 : vector<16xi32> to vector<16xi32>
    %swap3A_213 = vector.shape_cast %shift_right_arithmetic3A_209 : vector<16xi32> to vector<16xi32>
    tpu.vector_store %arg10[%swap3A_210], %swap3A_213 {strides = array<i32>} : memref<128xi32, #tpu.memory_space<vmem>>, vector<16xi32>,
    %get3A_214 = arith.constant 1 : i32
    %get3A_215 = arith.index_cast %get3A_214 : i32 to index
    %get3A_216 = arith.constant 48 : index
    %get3A_217 = tpu.vector_load %arg6[%get3A_215, %get3A_216] {strides = array<i32>} : memref<104x128xi32, #tpu.memory_space<vmem>>, vector<1x16xi32>,
    %get3A_218 = vector.shape_cast %get3A_217 : vector<1x16xi32> to vector<16xi32>
    %and3A_219 = arith.constant 32767 : i32
    %and3A_220 = vector.broadcast %and3A_219 : i32 to vector<16xi32>
    %and3A_221 = arith.andi %get3A_218, %and3A_220 : vector<16xi32>
    %swap3A_222 = arith.constant 48 : index
    %swap3A_223 = tpu.vector_load %arg9[%swap3A_222] {strides = array<i32>} : memref<128xi32, #tpu.memory_space<vmem>>, vector<16xi32>,
    %swap3A_224 = vector.shape_cast %swap3A_223 : vector<16xi32> to vector<16xi32>
    %swap3A_225 = vector.shape_cast %and3A_221 : vector<16xi32> to vector<16xi32>
    tpu.vector_store %arg9[%swap3A_222], %swap3A_225 {strides = array<i32>} : memref<128xi32, #tpu.memory_space<vmem>>, vector<16xi32>,
    %shift_right_arithmetic3A_226 = arith.constant 15 : i32
    %shift_right_arithmetic3A_227 = vector.broadcast %shift_right_arithmetic3A_226 : i32 to vector<16xi32>
    %shift_right_arithmetic3A_228 = arith.shrsi %get3A_218, %shift_right_arithmetic3A_227 : vector<16xi32>
    %swap3A_229 = arith.constant 48 : index
    %swap3A_230 = tpu.vector_load %arg10[%swap3A_229] {strides = array<i32>} : memref<128xi32, #tpu.memory_space<vmem>>, vector<16xi32>,
    %swap3A_231 = vector.shape_cast %swap3A_230 : vector<16xi32> to vector<16xi32>
    %swap3A_232 = vector.shape_cast %shift_right_arithmetic3A_228 : vector<16xi32> to vector<16xi32>
    tpu.vector_store %arg10[%swap3A_229], %swap3A_232 {strides = array<i32>} : memref<128xi32, #tpu.memory_space<vmem>>, vector<16xi32>,
    %get3A_233 = arith.constant 1 : i32
    %get3A_234 = arith.index_cast %get3A_233 : i32 to index
    %get3A_235 = arith.constant 64 : index
    %get3A_236 = tpu.vector_load %arg6[%get3A_234, %get3A_235] {strides = array<i32>} : memref<104x128xi32, #tpu.memory_space<vmem>>, vector<1x16xi32>,
    %get3A_237 = vector.shape_cast %get3A_236 : vector<1x16xi32> to vector<16xi32>
    %and3A_238 = arith.constant 32767 : i32
    %and3A_239 = vector.broadcast %and3A_238 : i32 to vector<16xi32>
    %and3A_240 = arith.andi %get3A_237, %and3A_239 : vector<16xi32>
    %swap3A_241 = arith.constant 64 : index
    %swap3A_242 = tpu.vector_load %arg9[%swap3A_241] {strides = array<i32>} : memref<128xi32, #tpu.memory_space<vmem>>, vector<16xi32>,
    %swap3A_243 = vector.shape_cast %swap3A_242 : vector<16xi32> to vector<16xi32>
    %swap3A_244 = vector.shape_cast %and3A_240 : vector<16xi32> to vector<16xi32>
    tpu.vector_store %arg9[%swap3A_241], %swap3A_244 {strides = array<i32>} : memref<128xi32, #tpu.memory_space<vmem>>, vector<16xi32>,
    %shift_right_arithmetic3A_245 = arith.constant 15 : i32
    %shift_right_arithmetic3A_246 = vector.broadcast %shift_right_arithmetic3A_245 : i32 to vector<16xi32>
    %shift_right_arithmetic3A_247 = arith.shrsi %get3A_237, %shift_right_arithmetic3A_246 : vector<16xi32>
    %swap3A_248 = arith.constant 64 : index
    %swap3A_249 = tpu.vector_load %arg10[%swap3A_248] {strides = array<i32>} : memref<128xi32, #tpu.memory_space<vmem>>, vector<16xi32>,
    %swap3A_250 = vector.shape_cast %swap3A_249 : vector<16xi32> to vector<16xi32>
    %swap3A_251 = vector.shape_cast %shift_right_arithmetic3A_247 : vector<16xi32> to vector<16xi32>
    tpu.vector_store %arg10[%swap3A_248], %swap3A_251 {strides = array<i32>} : memref<128xi32, #tpu.memory_space<vmem>>, vector<16xi32>,
    %get3A_252 = arith.constant 1 : i32
    %get3A_253 = arith.index_cast %get3A_252 : i32 to index
    %get3A_254 = arith.constant 80 : index
    %get3A_255 = tpu.vector_load %arg6[%get3A_253, %get3A_254] {strides = array<i32>} : memref<104x128xi32, #tpu.memory_space<vmem>>, vector<1x16xi32>,
    %get3A_256 = vector.shape_cast %get3A_255 : vector<1x16xi32> to vector<16xi32>
    %and3A_257 = arith.constant 32767 : i32
    %and3A_258 = vector.broadcast %and3A_257 : i32 to vector<16xi32>
    %and3A_259 = arith.andi %get3A_256, %and3A_258 : vector<16xi32>
    %swap3A_260 = arith.constant 80 : index
    %swap3A_261 = tpu.vector_load %arg9[%swap3A_260] {strides = array<i32>} : memref<128xi32, #tpu.memory_space<vmem>>, vector<16xi32>,
    %swap3A_262 = vector.shape_cast %swap3A_261 : vector<16xi32> to vector<16xi32>
    %swap3A_263 = vector.shape_cast %and3A_259 : vector<16xi32> to vector<16xi32>
    tpu.vector_store %arg9[%swap3A_260], %swap3A_263 {strides = array<i32>} : memref<128xi32, #tpu.memory_space<vmem>>, vector<16xi32>,
    %shift_right_arithmetic3A_264 = arith.constant 15 : i32
    %shift_right_arithmetic3A_265 = vector.broadcast %shift_right_arithmetic3A_264 : i32 to vector<16xi32>
    %shift_right_arithmetic3A_266 = arith.shrsi %get3A_256, %shift_right_arithmetic3A_265 : vector<16xi32>
    %swap3A_267 = arith.constant 80 : index
    %swap3A_268 = tpu.vector_load %arg10[%swap3A_267] {strides = array<i32>} : memref<128xi32, #tpu.memory_space<vmem>>, vector<16xi32>,
    %swap3A_269 = vector.shape_cast %swap3A_268 : vector<16xi32> to vector<16xi32>
    %swap3A_270 = vector.shape_cast %shift_right_arithmetic3A_266 : vector<16xi32> to vector<16xi32>
    tpu.vector_store %arg10[%swap3A_267], %swap3A_270 {strides = array<i32>} : memref<128xi32, #tpu.memory_space<vmem>>, vector<16xi32>,
    %get3A_271 = arith.constant 1 : i32
    %get3A_272 = arith.index_cast %get3A_271 : i32 to index
    %get3A_273 = arith.constant 96 : index
    %get3A_274 = tpu.vector_load %arg6[%get3A_272, %get3A_273] {strides = array<i32>} : memref<104x128xi32, #tpu.memory_space<vmem>>, vector<1x16xi32>,
    %get3A_275 = vector.shape_cast %get3A_274 : vector<1x16xi32> to vector<16xi32>
    %and3A_276 = arith.constant 32767 : i32
    %and3A_277 = vector.broadcast %and3A_276 : i32 to vector<16xi32>
    %and3A_278 = arith.andi %get3A_275, %and3A_277 : vector<16xi32>
    %swap3A_279 = arith.constant 96 : index
    %swap3A_280 = tpu.vector_load %arg9[%swap3A_279] {strides = array<i32>} : memref<128xi32, #tpu.memory_space<vmem>>, vector<16xi32>,
    %swap3A_281 = vector.shape_cast %swap3A_280 : vector<16xi32> to vector<16xi32>
    %swap3A_282 = vector.shape_cast %and3A_278 : vector<16xi32> to vector<16xi32>
    tpu.vector_store %arg9[%swap3A_279], %swap3A_282 {strides = array<i32>} : memref<128xi32, #tpu.memory_space<vmem>>, vector<16xi32>,
    %shift_right_arithmetic3A_283 = arith.constant 15 : i32
    %shift_right_arithmetic3A_284 = vector.broadcast %shift_right_arithmetic3A_283 : i32 to vector<16xi32>
    %shift_right_arithmetic3A_285 = arith.shrsi %get3A_275, %shift_right_arithmetic3A_284 : vector<16xi32>
    %swap3A_286 = arith.constant 96 : index
    %swap3A_287 = tpu.vector_load %arg10[%swap3A_286] {strides = array<i32>} : memref<128xi32, #tpu.memory_space<vmem>>, vector<16xi32>,
    %swap3A_288 = vector.shape_cast %swap3A_287 : vector<16xi32> to vector<16xi32>
    %swap3A_289 = vector.shape_cast %shift_right_arithmetic3A_285 : vector<16xi32> to vector<16xi32>
    tpu.vector_store %arg10[%swap3A_286], %swap3A_289 {strides = array<i32>} : memref<128xi32, #tpu.memory_space<vmem>>, vector<16xi32>,
    %get3A_290 = arith.constant 1 : i32
    %get3A_291 = arith.index_cast %get3A_290 : i32 to index
    %get3A_292 = arith.constant 112 : index
    %get3A_293 = tpu.vector_load %arg6[%get3A_291, %get3A_292] {strides = array<i32>} : memref<104x128xi32, #tpu.memory_space<vmem>>, vector<1x16xi32>,
    %get3A_294 = vector.shape_cast %get3A_293 : vector<1x16xi32> to vector<16xi32>
    %and3A_295 = arith.constant 32767 : i32
    %and3A_296 = vector.broadcast %and3A_295 : i32 to vector<16xi32>
    %and3A_297 = arith.andi %get3A_294, %and3A_296 : vector<16xi32>
    %swap3A_298 = arith.constant 112 : index
    %swap3A_299 = tpu.vector_load %arg9[%swap3A_298] {strides = array<i32>} : memref<128xi32, #tpu.memory_space<vmem>>, vector<16xi32>,
    %swap3A_300 = vector.shape_cast %swap3A_299 : vector<16xi32> to vector<16xi32>
    %swap3A_301 = vector.shape_cast %and3A_297 : vector<16xi32> to vector<16xi32>
    tpu.vector_store %arg9[%swap3A_298], %swap3A_301 {strides = array<i32>} : memref<128xi32, #tpu.memory_space<vmem>>, vector<16xi32>,
    %shift_right_arithmetic3A_302 = arith.constant 15 : i32
    %shift_right_arithmetic3A_303 = vector.broadcast %shift_right_arithmetic3A_302 : i32 to vector<16xi32>
    %shift_right_arithmetic3A_304 = arith.shrsi %get3A_294, %shift_right_arithmetic3A_303 : vector<16xi32>
    %swap3A_305 = arith.constant 112 : index
    %swap3A_306 = tpu.vector_load %arg10[%swap3A_305] {strides = array<i32>} : memref<128xi32, #tpu.memory_space<vmem>>, vector<16xi32>,
    %swap3A_307 = vector.shape_cast %swap3A_306 : vector<16xi32> to vector<16xi32>
    %swap3A_308 = vector.shape_cast %shift_right_arithmetic3A_304 : vector<16xi32> to vector<16xi32>
    tpu.vector_store %arg10[%swap3A_305], %swap3A_308 {strides = array<i32>} : memref<128xi32, #tpu.memory_space<vmem>>, vector<16xi32>,
    %dma_start3A_309 = arith.constant 0 : i32
    %dma_start3A_310 = arith.constant 0 : i32
    %dma_start3A_311 = tpu.memref_slice %arg2[%dma_start3A_309, %dma_start3A_310] : memref<30000x128xf32, #tpu.memory_space<hbm>> -> memref<30000x128xf32, #tpu.memory_space<hbm>>
    tpu.enqueue_indirect_dma source(%dma_start3A_311 : memref<30000x128xf32, #tpu.memory_space<hbm>>) target(%arg12 : memref<128x128xf32, #tpu.memory_space<vmem>>) offsets(%arg9 : memref<128xi32, #tpu.memory_space<vmem>>) semaphore(%arg15 : memref<!tpu.dma_semaphore, #tpu.memory_space<semaphore_mem>>)
    %sub3A = arith.constant 0 : i32
    %sub3A_312 = arith.subi %select_n3A, %sub3A : i32
    %sub3A_313 = arith.constant 2 : i32
    %sub3A_314 = arith.constant 1 : i32
    %sub3A_315 = arith.subi %sub3A_313, %sub3A_314 : i32
    %add3A_316 = arith.addi %sub3A_312, %sub3A_315 : i32
    %div3A = arith.constant 2 : i32
    %div3A_317 = arith.divsi %add3A_316, %div3A : i32
    %while3A = arith.constant 2 : i32
    %while3A_318 = arith.constant 0 : i32
    %while3A_319 = arith.constant 0 : i32
    %while3A_320 = arith.subi %div3A_317, %while3A_319 : i32
    %while3A_321 = arith.addi %while3A_319, %while3A_320 : i32
    %while3A_322 = arith.constant 1 : i32
    %while3A_323 = arith.divsi %while3A_320, %while3A_322 : i32
    %while3A_324 = arith.muli %while3A_323, %while3A_322 : i32
    %while3A_325 = arith.addi %while3A_319, %while3A_324 : i32
    %while3A_326 = arith.constant 1 : i32
    scf.for %while3A_333 = %while3A_319 to %while3A_325 step %while3A_326  : i32 {
      %mul3A_334 = arith.muli %while3A_333, %while3A : i32
      %add3A_335 = arith.addi %while3A_318, %mul3A_334 : i32
      %dma_wait3A = arith.constant 0 : i32
      %dma_wait3A_336 = arith.constant 0 : i32
      %dma_wait3A_337 = tpu.memref_slice %arg2[%dma_wait3A, %dma_wait3A_336] : memref<30000x128xf32, #tpu.memory_space<hbm>> -> memref<30000x128xf32, #tpu.memory_space<hbm>>
      tpu.wait_indirect_dma semaphore(%arg14 : memref<!tpu.dma_semaphore, #tpu.memory_space<semaphore_mem>>) src(%dma_wait3A_337 : memref<30000x128xf32, #tpu.memory_space<hbm>>) dst(%arg11 : memref<128x128xf32, #tpu.memory_space<vmem>>)
      "tpu.region"() ({
        %run_scoped3A = tpu.sem_alloc : memref<!tpu.dma_semaphore, #tpu.memory_space<semaphore_mem>>
        %dma_start3A_350 = arith.constant 0 : i32
        %dma_start3A_351 = arith.constant 0 : i32
        %dma_start3A_352 = tpu.memref_slice %arg13[%dma_start3A_350, %dma_start3A_351] : memref<10240x128xf32, #tpu.memory_space<vmem_shared>> -> memref<10240x128xf32, #tpu.memory_space<vmem_shared>>
        tpu.enqueue_indirect_dma source(%arg11 : memref<128x128xf32, #tpu.memory_space<vmem>>) target(%dma_start3A_352 : memref<10240x128xf32, #tpu.memory_space<vmem_shared>>) offsets(%arg8 : memref<128xi32, #tpu.memory_space<vmem>>) semaphore(%run_scoped3A : memref<!tpu.dma_semaphore, #tpu.memory_space<semaphore_mem>>) {add = true}
        %dma_wait3A_353 = arith.constant 0 : i32
        %dma_wait3A_354 = arith.constant 0 : i32
        %dma_wait3A_355 = tpu.memref_slice %arg13[%dma_wait3A_353, %dma_wait3A_354] : memref<10240x128xf32, #tpu.memory_space<vmem_shared>> -> memref<10240x128xf32, #tpu.memory_space<vmem_shared>>
        tpu.wait_indirect_dma semaphore(%run_scoped3A : memref<!tpu.dma_semaphore, #tpu.memory_space<semaphore_mem>>) src(%arg11 : memref<128x128xf32, #tpu.memory_space<vmem>>) dst(%dma_wait3A_355 : memref<10240x128xf32, #tpu.memory_space<vmem_shared>>)
        tpu.yield
      }) : () -> ()
      %add3A_338 = arith.constant 2 : i32
      %add3A_339 = arith.addi %add3A_335, %add3A_338 : i32
      %lt3A = arith.cmpi slt, %add3A_339, %select_n3A : i32
      %convert_element_type3A = arith.extui %lt3A : i1 to i32
      %cond3A = arith.constant 0 : i32
      %cond3A_340 = arith.cmpi ne, %convert_element_type3A, %cond3A : i32
      scf.if %cond3A_340 {
        %add3A_350 = arith.constant 2 : i32
        %add3A_351 = arith.addi %add3A_335, %add3A_350 : i32
        %get3A_352 = arith.index_cast %add3A_351 : i32 to index
        %get3A_353 = arith.constant 0 : index
        %get3A_354 = tpu.vector_load %arg6[%get3A_352, %get3A_353] {strides = array<i32>} : memref<104x128xi32, #tpu.memory_space<vmem>>, vector<1x16xi32>,
        %get3A_355 = vector.shape_cast %get3A_354 : vector<1x16xi32> to vector<16xi32>
        %and3A_356 = arith.constant 32767 : i32
        %and3A_357 = vector.broadcast %and3A_356 : i32 to vector<16xi32>
        %and3A_358 = arith.andi %get3A_355, %and3A_357 : vector<16xi32>
        %swap3A_359 = arith.constant 0 : index
        %swap3A_360 = tpu.vector_load %arg7[%swap3A_359] {strides = array<i32>} : memref<128xi32, #tpu.memory_space<vmem>>, vector<16xi32>,
        %swap3A_361 = vector.shape_cast %swap3A_360 : vector<16xi32> to vector<16xi32>
        %swap3A_362 = vector.shape_cast %and3A_358 : vector<16xi32> to vector<16xi32>
        tpu.vector_store %arg7[%swap3A_359], %swap3A_362 {strides = array<i32>} : memref<128xi32, #tpu.memory_space<vmem>>, vector<16xi32>,
        %shift_right_arithmetic3A_363 = arith.constant 15 : i32
        %shift_right_arithmetic3A_364 = vector.broadcast %shift_right_arithmetic3A_363 : i32 to vector<16xi32>
        %shift_right_arithmetic3A_365 = arith.shrsi %get3A_355, %shift_right_arithmetic3A_364 : vector<16xi32>
        %swap3A_366 = arith.constant 0 : index
        %swap3A_367 = tpu.vector_load %arg8[%swap3A_366] {strides = array<i32>} : memref<128xi32, #tpu.memory_space<vmem>>, vector<16xi32>,
        %swap3A_368 = vector.shape_cast %swap3A_367 : vector<16xi32> to vector<16xi32>
        %swap3A_369 = vector.shape_cast %shift_right_arithmetic3A_365 : vector<16xi32> to vector<16xi32>
        tpu.vector_store %arg8[%swap3A_366], %swap3A_369 {strides = array<i32>} : memref<128xi32, #tpu.memory_space<vmem>>, vector<16xi32>,
        %get3A_370 = arith.index_cast %add3A_351 : i32 to index
        %get3A_371 = arith.constant 16 : index
        %get3A_372 = tpu.vector_load %arg6[%get3A_370, %get3A_371] {strides = array<i32>} : memref<104x128xi32, #tpu.memory_space<vmem>>, vector<1x16xi32>,
        %get3A_373 = vector.shape_cast %get3A_372 : vector<1x16xi32> to vector<16xi32>
        %and3A_374 = arith.constant 32767 : i32
        %and3A_375 = vector.broadcast %and3A_374 : i32 to vector<16xi32>
        %and3A_376 = arith.andi %get3A_373, %and3A_375 : vector<16xi32>
        %swap3A_377 = arith.constant 16 : index
        %swap3A_378 = tpu.vector_load %arg7[%swap3A_377] {strides = array<i32>} : memref<128xi32, #tpu.memory_space<vmem>>, vector<16xi32>,
        %swap3A_379 = vector.shape_cast %swap3A_378 : vector<16xi32> to vector<16xi32>
        %swap3A_380 = vector.shape_cast %and3A_376 : vector<16xi32> to vector<16xi32>
        tpu.vector_store %arg7[%swap3A_377], %swap3A_380 {strides = array<i32>} : memref<128xi32, #tpu.memory_space<vmem>>, vector<16xi32>,
        %shift_right_arithmetic3A_381 = arith.constant 15 : i32
        %shift_right_arithmetic3A_382 = vector.broadcast %shift_right_arithmetic3A_381 : i32 to vector<16xi32>
        %shift_right_arithmetic3A_383 = arith.shrsi %get3A_373, %shift_right_arithmetic3A_382 : vector<16xi32>
        %swap3A_384 = arith.constant 16 : index
        %swap3A_385 = tpu.vector_load %arg8[%swap3A_384] {strides = array<i32>} : memref<128xi32, #tpu.memory_space<vmem>>, vector<16xi32>,
        %swap3A_386 = vector.shape_cast %swap3A_385 : vector<16xi32> to vector<16xi32>
        %swap3A_387 = vector.shape_cast %shift_right_arithmetic3A_383 : vector<16xi32> to vector<16xi32>
        tpu.vector_store %arg8[%swap3A_384], %swap3A_387 {strides = array<i32>} : memref<128xi32, #tpu.memory_space<vmem>>, vector<16xi32>,
        %get3A_388 = arith.index_cast %add3A_351 : i32 to index
        %get3A_389 = arith.constant 32 : index
        %get3A_390 = tpu.vector_load %arg6[%get3A_388, %get3A_389] {strides = array<i32>} : memref<104x128xi32, #tpu.memory_space<vmem>>, vector<1x16xi32>,
        %get3A_391 = vector.shape_cast %get3A_390 : vector<1x16xi32> to vector<16xi32>
        %and3A_392 = arith.constant 32767 : i32
        %and3A_393 = vector.broadcast %and3A_392 : i32 to vector<16xi32>
        %and3A_394 = arith.andi %get3A_391, %and3A_393 : vector<16xi32>
        %swap3A_395 = arith.constant 32 : index
        %swap3A_396 = tpu.vector_load %arg7[%swap3A_395] {strides = array<i32>} : memref<128xi32, #tpu.memory_space<vmem>>, vector<16xi32>,
        %swap3A_397 = vector.shape_cast %swap3A_396 : vector<16xi32> to vector<16xi32>
        %swap3A_398 = vector.shape_cast %and3A_394 : vector<16xi32> to vector<16xi32>
        tpu.vector_store %arg7[%swap3A_395], %swap3A_398 {strides = array<i32>} : memref<128xi32, #tpu.memory_space<vmem>>, vector<16xi32>,
        %shift_right_arithmetic3A_399 = arith.constant 15 : i32
        %shift_right_arithmetic3A_400 = vector.broadcast %shift_right_arithmetic3A_399 : i32 to vector<16xi32>
        %shift_right_arithmetic3A_401 = arith.shrsi %get3A_391, %shift_right_arithmetic3A_400 : vector<16xi32>
        %swap3A_402 = arith.constant 32 : index
        %swap3A_403 = tpu.vector_load %arg8[%swap3A_402] {strides = array<i32>} : memref<128xi32, #tpu.memory_space<vmem>>, vector<16xi32>,
        %swap3A_404 = vector.shape_cast %swap3A_403 : vector<16xi32> to vector<16xi32>
        %swap3A_405 = vector.shape_cast %shift_right_arithmetic3A_401 : vector<16xi32> to vector<16xi32>
        tpu.vector_store %arg8[%swap3A_402], %swap3A_405 {strides = array<i32>} : memref<128xi32, #tpu.memory_space<vmem>>, vector<16xi32>,
        %get3A_406 = arith.index_cast %add3A_351 : i32 to index
        %get3A_407 = arith.constant 48 : index
        %get3A_408 = tpu.vector_load %arg6[%get3A_406, %get3A_407] {strides = array<i32>} : memref<104x128xi32, #tpu.memory_space<vmem>>, vector<1x16xi32>,
        %get3A_409 = vector.shape_cast %get3A_408 : vector<1x16xi32> to vector<16xi32>
        %and3A_410 = arith.constant 32767 : i32
        %and3A_411 = vector.broadcast %and3A_410 : i32 to vector<16xi32>
        %and3A_412 = arith.andi %get3A_409, %and3A_411 : vector<16xi32>
        %swap3A_413 = arith.constant 48 : index
        %swap3A_414 = tpu.vector_load %arg7[%swap3A_413] {strides = array<i32>} : memref<128xi32, #tpu.memory_space<vmem>>, vector<16xi32>,
        %swap3A_415 = vector.shape_cast %swap3A_414 : vector<16xi32> to vector<16xi32>
        %swap3A_416 = vector.shape_cast %and3A_412 : vector<16xi32> to vector<16xi32>
        tpu.vector_store %arg7[%swap3A_413], %swap3A_416 {strides = array<i32>} : memref<128xi32, #tpu.memory_space<vmem>>, vector<16xi32>,
        %shift_right_arithmetic3A_417 = arith.constant 15 : i32
        %shift_right_arithmetic3A_418 = vector.broadcast %shift_right_arithmetic3A_417 : i32 to vector<16xi32>
        %shift_right_arithmetic3A_419 = arith.shrsi %get3A_409, %shift_right_arithmetic3A_418 : vector<16xi32>
        %swap3A_420 = arith.constant 48 : index
        %swap3A_421 = tpu.vector_load %arg8[%swap3A_420] {strides = array<i32>} : memref<128xi32, #tpu.memory_space<vmem>>, vector<16xi32>,
        %swap3A_422 = vector.shape_cast %swap3A_421 : vector<16xi32> to vector<16xi32>
        %swap3A_423 = vector.shape_cast %shift_right_arithmetic3A_419 : vector<16xi32> to vector<16xi32>
        tpu.vector_store %arg8[%swap3A_420], %swap3A_423 {strides = array<i32>} : memref<128xi32, #tpu.memory_space<vmem>>, vector<16xi32>,
        %get3A_424 = arith.index_cast %add3A_351 : i32 to index
        %get3A_425 = arith.constant 64 : index
        %get3A_426 = tpu.vector_load %arg6[%get3A_424, %get3A_425] {strides = array<i32>} : memref<104x128xi32, #tpu.memory_space<vmem>>, vector<1x16xi32>,
        %get3A_427 = vector.shape_cast %get3A_426 : vector<1x16xi32> to vector<16xi32>
        %and3A_428 = arith.constant 32767 : i32
        %and3A_429 = vector.broadcast %and3A_428 : i32 to vector<16xi32>
        %and3A_430 = arith.andi %get3A_427, %and3A_429 : vector<16xi32>
        %swap3A_431 = arith.constant 64 : index
        %swap3A_432 = tpu.vector_load %arg7[%swap3A_431] {strides = array<i32>} : memref<128xi32, #tpu.memory_space<vmem>>, vector<16xi32>,
        %swap3A_433 = vector.shape_cast %swap3A_432 : vector<16xi32> to vector<16xi32>
        %swap3A_434 = vector.shape_cast %and3A_430 : vector<16xi32> to vector<16xi32>
        tpu.vector_store %arg7[%swap3A_431], %swap3A_434 {strides = array<i32>} : memref<128xi32, #tpu.memory_space<vmem>>, vector<16xi32>,
        %shift_right_arithmetic3A_435 = arith.constant 15 : i32
        %shift_right_arithmetic3A_436 = vector.broadcast %shift_right_arithmetic3A_435 : i32 to vector<16xi32>
        %shift_right_arithmetic3A_437 = arith.shrsi %get3A_427, %shift_right_arithmetic3A_436 : vector<16xi32>
        %swap3A_438 = arith.constant 64 : index
        %swap3A_439 = tpu.vector_load %arg8[%swap3A_438] {strides = array<i32>} : memref<128xi32, #tpu.memory_space<vmem>>, vector<16xi32>,
        %swap3A_440 = vector.shape_cast %swap3A_439 : vector<16xi32> to vector<16xi32>
        %swap3A_441 = vector.shape_cast %shift_right_arithmetic3A_437 : vector<16xi32> to vector<16xi32>
        tpu.vector_store %arg8[%swap3A_438], %swap3A_441 {strides = array<i32>} : memref<128xi32, #tpu.memory_space<vmem>>, vector<16xi32>,
        %get3A_442 = arith.index_cast %add3A_351 : i32 to index
        %get3A_443 = arith.constant 80 : index
        %get3A_444 = tpu.vector_load %arg6[%get3A_442, %get3A_443] {strides = array<i32>} : memref<104x128xi32, #tpu.memory_space<vmem>>, vector<1x16xi32>,
        %get3A_445 = vector.shape_cast %get3A_444 : vector<1x16xi32> to vector<16xi32>
        %and3A_446 = arith.constant 32767 : i32
        %and3A_447 = vector.broadcast %and3A_446 : i32 to vector<16xi32>
        %and3A_448 = arith.andi %get3A_445, %and3A_447 : vector<16xi32>
        %swap3A_449 = arith.constant 80 : index
        %swap3A_450 = tpu.vector_load %arg7[%swap3A_449] {strides = array<i32>} : memref<128xi32, #tpu.memory_space<vmem>>, vector<16xi32>,
        %swap3A_451 = vector.shape_cast %swap3A_450 : vector<16xi32> to vector<16xi32>
        %swap3A_452 = vector.shape_cast %and3A_448 : vector<16xi32> to vector<16xi32>
        tpu.vector_store %arg7[%swap3A_449], %swap3A_452 {strides = array<i32>} : memref<128xi32, #tpu.memory_space<vmem>>, vector<16xi32>,
        %shift_right_arithmetic3A_453 = arith.constant 15 : i32
        %shift_right_arithmetic3A_454 = vector.broadcast %shift_right_arithmetic3A_453 : i32 to vector<16xi32>
        %shift_right_arithmetic3A_455 = arith.shrsi %get3A_445, %shift_right_arithmetic3A_454 : vector<16xi32>
        %swap3A_456 = arith.constant 80 : index
        %swap3A_457 = tpu.vector_load %arg8[%swap3A_456] {strides = array<i32>} : memref<128xi32, #tpu.memory_space<vmem>>, vector<16xi32>,
        %swap3A_458 = vector.shape_cast %swap3A_457 : vector<16xi32> to vector<16xi32>
        %swap3A_459 = vector.shape_cast %shift_right_arithmetic3A_455 : vector<16xi32> to vector<16xi32>
        tpu.vector_store %arg8[%swap3A_456], %swap3A_459 {strides = array<i32>} : memref<128xi32, #tpu.memory_space<vmem>>, vector<16xi32>,
        %get3A_460 = arith.index_cast %add3A_351 : i32 to index
        %get3A_461 = arith.constant 96 : index
        %get3A_462 = tpu.vector_load %arg6[%get3A_460, %get3A_461] {strides = array<i32>} : memref<104x128xi32, #tpu.memory_space<vmem>>, vector<1x16xi32>,
        %get3A_463 = vector.shape_cast %get3A_462 : vector<1x16xi32> to vector<16xi32>
        %and3A_464 = arith.constant 32767 : i32
        %and3A_465 = vector.broadcast %and3A_464 : i32 to vector<16xi32>
        %and3A_466 = arith.andi %get3A_463, %and3A_465 : vector<16xi32>
        %swap3A_467 = arith.constant 96 : index
        %swap3A_468 = tpu.vector_load %arg7[%swap3A_467] {strides = array<i32>} : memref<128xi32, #tpu.memory_space<vmem>>, vector<16xi32>,
        %swap3A_469 = vector.shape_cast %swap3A_468 : vector<16xi32> to vector<16xi32>
        %swap3A_470 = vector.shape_cast %and3A_466 : vector<16xi32> to vector<16xi32>
        tpu.vector_store %arg7[%swap3A_467], %swap3A_470 {strides = array<i32>} : memref<128xi32, #tpu.memory_space<vmem>>, vector<16xi32>,
        %shift_right_arithmetic3A_471 = arith.constant 15 : i32
        %shift_right_arithmetic3A_472 = vector.broadcast %shift_right_arithmetic3A_471 : i32 to vector<16xi32>
        %shift_right_arithmetic3A_473 = arith.shrsi %get3A_463, %shift_right_arithmetic3A_472 : vector<16xi32>
        %swap3A_474 = arith.constant 96 : index
        %swap3A_475 = tpu.vector_load %arg8[%swap3A_474] {strides = array<i32>} : memref<128xi32, #tpu.memory_space<vmem>>, vector<16xi32>,
        %swap3A_476 = vector.shape_cast %swap3A_475 : vector<16xi32> to vector<16xi32>
        %swap3A_477 = vector.shape_cast %shift_right_arithmetic3A_473 : vector<16xi32> to vector<16xi32>
        tpu.vector_store %arg8[%swap3A_474], %swap3A_477 {strides = array<i32>} : memref<128xi32, #tpu.memory_space<vmem>>, vector<16xi32>,
        %get3A_478 = arith.index_cast %add3A_351 : i32 to index
        %get3A_479 = arith.constant 112 : index
        %get3A_480 = tpu.vector_load %arg6[%get3A_478, %get3A_479] {strides = array<i32>} : memref<104x128xi32, #tpu.memory_space<vmem>>, vector<1x16xi32>,
        %get3A_481 = vector.shape_cast %get3A_480 : vector<1x16xi32> to vector<16xi32>
        %and3A_482 = arith.constant 32767 : i32
        %and3A_483 = vector.broadcast %and3A_482 : i32 to vector<16xi32>
        %and3A_484 = arith.andi %get3A_481, %and3A_483 : vector<16xi32>
        %swap3A_485 = arith.constant 112 : index
        %swap3A_486 = tpu.vector_load %arg7[%swap3A_485] {strides = array<i32>} : memref<128xi32, #tpu.memory_space<vmem>>, vector<16xi32>,
        %swap3A_487 = vector.shape_cast %swap3A_486 : vector<16xi32> to vector<16xi32>
        %swap3A_488 = vector.shape_cast %and3A_484 : vector<16xi32> to vector<16xi32>
        tpu.vector_store %arg7[%swap3A_485], %swap3A_488 {strides = array<i32>} : memref<128xi32, #tpu.memory_space<vmem>>, vector<16xi32>,
        %shift_right_arithmetic3A_489 = arith.constant 15 : i32
        %shift_right_arithmetic3A_490 = vector.broadcast %shift_right_arithmetic3A_489 : i32 to vector<16xi32>
        %shift_right_arithmetic3A_491 = arith.shrsi %get3A_481, %shift_right_arithmetic3A_490 : vector<16xi32>
        %swap3A_492 = arith.constant 112 : index
        %swap3A_493 = tpu.vector_load %arg8[%swap3A_492] {strides = array<i32>} : memref<128xi32, #tpu.memory_space<vmem>>, vector<16xi32>,
        %swap3A_494 = vector.shape_cast %swap3A_493 : vector<16xi32> to vector<16xi32>
        %swap3A_495 = vector.shape_cast %shift_right_arithmetic3A_491 : vector<16xi32> to vector<16xi32>
        tpu.vector_store %arg8[%swap3A_492], %swap3A_495 {strides = array<i32>} : memref<128xi32, #tpu.memory_space<vmem>>, vector<16xi32>,
        %dma_start3A_496 = arith.constant 0 : i32
        %dma_start3A_497 = arith.constant 0 : i32
        %dma_start3A_498 = tpu.memref_slice %arg2[%dma_start3A_496, %dma_start3A_497] : memref<30000x128xf32, #tpu.memory_space<hbm>> -> memref<30000x128xf32, #tpu.memory_space<hbm>>
        tpu.enqueue_indirect_dma source(%dma_start3A_498 : memref<30000x128xf32, #tpu.memory_space<hbm>>) target(%arg11 : memref<128x128xf32, #tpu.memory_space<vmem>>) offsets(%arg7 : memref<128xi32, #tpu.memory_space<vmem>>) semaphore(%arg14 : memref<!tpu.dma_semaphore, #tpu.memory_space<semaphore_mem>>)
      } else {
      }
      %dma_wait3A_341 = arith.constant 0 : i32
      %dma_wait3A_342 = arith.constant 0 : i32
      %dma_wait3A_343 = tpu.memref_slice %arg2[%dma_wait3A_341, %dma_wait3A_342] : memref<30000x128xf32, #tpu.memory_space<hbm>> -> memref<30000x128xf32, #tpu.memory_space<hbm>>
      tpu.wait_indirect_dma semaphore(%arg15 : memref<!tpu.dma_semaphore, #tpu.memory_space<semaphore_mem>>) src(%dma_wait3A_343 : memref<30000x128xf32, #tpu.memory_space<hbm>>) dst(%arg12 : memref<128x128xf32, #tpu.memory_space<vmem>>)
      "tpu.region"() ({
        %run_scoped3A = tpu.sem_alloc : memref<!tpu.dma_semaphore, #tpu.memory_space<semaphore_mem>>
        %dma_start3A_350 = arith.constant 0 : i32
        %dma_start3A_351 = arith.constant 0 : i32
        %dma_start3A_352 = tpu.memref_slice %arg13[%dma_start3A_350, %dma_start3A_351] : memref<10240x128xf32, #tpu.memory_space<vmem_shared>> -> memref<10240x128xf32, #tpu.memory_space<vmem_shared>>
        tpu.enqueue_indirect_dma source(%arg12 : memref<128x128xf32, #tpu.memory_space<vmem>>) target(%dma_start3A_352 : memref<10240x128xf32, #tpu.memory_space<vmem_shared>>) offsets(%arg10 : memref<128xi32, #tpu.memory_space<vmem>>) semaphore(%run_scoped3A : memref<!tpu.dma_semaphore, #tpu.memory_space<semaphore_mem>>) {add = true}
        %dma_wait3A_353 = arith.constant 0 : i32
        %dma_wait3A_354 = arith.constant 0 : i32
        %dma_wait3A_355 = tpu.memref_slice %arg13[%dma_wait3A_353, %dma_wait3A_354] : memref<10240x128xf32, #tpu.memory_space<vmem_shared>> -> memref<10240x128xf32, #tpu.memory_space<vmem_shared>>
        tpu.wait_indirect_dma semaphore(%run_scoped3A : memref<!tpu.dma_semaphore, #tpu.memory_space<semaphore_mem>>) src(%arg12 : memref<128x128xf32, #tpu.memory_space<vmem>>) dst(%dma_wait3A_355 : memref<10240x128xf32, #tpu.memory_space<vmem_shared>>)
        tpu.yield
      }) : () -> ()
      %add3A_344 = arith.constant 3 : i32
      %add3A_345 = arith.addi %add3A_335, %add3A_344 : i32
      %lt3A_346 = arith.cmpi slt, %add3A_345, %select_n3A : i32
      %convert_element_type3A_347 = arith.extui %lt3A_346 : i1 to i32
      %cond3A_348 = arith.constant 0 : i32
      %cond3A_349 = arith.cmpi ne, %convert_element_type3A_347, %cond3A_348 : i32
      scf.if %cond3A_349 {
        %add3A_350 = arith.constant 3 : i32
        %add3A_351 = arith.addi %add3A_335, %add3A_350 : i32
        %get3A_352 = arith.index_cast %add3A_351 : i32 to index
        %get3A_353 = arith.constant 0 : index
        %get3A_354 = tpu.vector_load %arg6[%get3A_352, %get3A_353] {strides = array<i32>} : memref<104x128xi32, #tpu.memory_space<vmem>>, vector<1x16xi32>,
        %get3A_355 = vector.shape_cast %get3A_354 : vector<1x16xi32> to vector<16xi32>
        %and3A_356 = arith.constant 32767 : i32
        %and3A_357 = vector.broadcast %and3A_356 : i32 to vector<16xi32>
        %and3A_358 = arith.andi %get3A_355, %and3A_357 : vector<16xi32>
        %swap3A_359 = arith.constant 0 : index
        %swap3A_360 = tpu.vector_load %arg9[%swap3A_359] {strides = array<i32>} : memref<128xi32, #tpu.memory_space<vmem>>, vector<16xi32>,
        %swap3A_361 = vector.shape_cast %swap3A_360 : vector<16xi32> to vector<16xi32>
        %swap3A_362 = vector.shape_cast %and3A_358 : vector<16xi32> to vector<16xi32>
        tpu.vector_store %arg9[%swap3A_359], %swap3A_362 {strides = array<i32>} : memref<128xi32, #tpu.memory_space<vmem>>, vector<16xi32>,
        %shift_right_arithmetic3A_363 = arith.constant 15 : i32
        %shift_right_arithmetic3A_364 = vector.broadcast %shift_right_arithmetic3A_363 : i32 to vector<16xi32>
        %shift_right_arithmetic3A_365 = arith.shrsi %get3A_355, %shift_right_arithmetic3A_364 : vector<16xi32>
        %swap3A_366 = arith.constant 0 : index
        %swap3A_367 = tpu.vector_load %arg10[%swap3A_366] {strides = array<i32>} : memref<128xi32, #tpu.memory_space<vmem>>, vector<16xi32>,
        %swap3A_368 = vector.shape_cast %swap3A_367 : vector<16xi32> to vector<16xi32>
        %swap3A_369 = vector.shape_cast %shift_right_arithmetic3A_365 : vector<16xi32> to vector<16xi32>
        tpu.vector_store %arg10[%swap3A_366], %swap3A_369 {strides = array<i32>} : memref<128xi32, #tpu.memory_space<vmem>>, vector<16xi32>,
        %get3A_370 = arith.index_cast %add3A_351 : i32 to index
        %get3A_371 = arith.constant 16 : index
        %get3A_372 = tpu.vector_load %arg6[%get3A_370, %get3A_371] {strides = array<i32>} : memref<104x128xi32, #tpu.memory_space<vmem>>, vector<1x16xi32>,
        %get3A_373 = vector.shape_cast %get3A_372 : vector<1x16xi32> to vector<16xi32>
        %and3A_374 = arith.constant 32767 : i32
        %and3A_375 = vector.broadcast %and3A_374 : i32 to vector<16xi32>
        %and3A_376 = arith.andi %get3A_373, %and3A_375 : vector<16xi32>
        %swap3A_377 = arith.constant 16 : index
        %swap3A_378 = tpu.vector_load %arg9[%swap3A_377] {strides = array<i32>} : memref<128xi32, #tpu.memory_space<vmem>>, vector<16xi32>,
        %swap3A_379 = vector.shape_cast %swap3A_378 : vector<16xi32> to vector<16xi32>
        %swap3A_380 = vector.shape_cast %and3A_376 : vector<16xi32> to vector<16xi32>
        tpu.vector_store %arg9[%swap3A_377], %swap3A_380 {strides = array<i32>} : memref<128xi32, #tpu.memory_space<vmem>>, vector<16xi32>,
        %shift_right_arithmetic3A_381 = arith.constant 15 : i32
        %shift_right_arithmetic3A_382 = vector.broadcast %shift_right_arithmetic3A_381 : i32 to vector<16xi32>
        %shift_right_arithmetic3A_383 = arith.shrsi %get3A_373, %shift_right_arithmetic3A_382 : vector<16xi32>
        %swap3A_384 = arith.constant 16 : index
        %swap3A_385 = tpu.vector_load %arg10[%swap3A_384] {strides = array<i32>} : memref<128xi32, #tpu.memory_space<vmem>>, vector<16xi32>,
        %swap3A_386 = vector.shape_cast %swap3A_385 : vector<16xi32> to vector<16xi32>
        %swap3A_387 = vector.shape_cast %shift_right_arithmetic3A_383 : vector<16xi32> to vector<16xi32>
        tpu.vector_store %arg10[%swap3A_384], %swap3A_387 {strides = array<i32>} : memref<128xi32, #tpu.memory_space<vmem>>, vector<16xi32>,
        %get3A_388 = arith.index_cast %add3A_351 : i32 to index
        %get3A_389 = arith.constant 32 : index
        %get3A_390 = tpu.vector_load %arg6[%get3A_388, %get3A_389] {strides = array<i32>} : memref<104x128xi32, #tpu.memory_space<vmem>>, vector<1x16xi32>,
        %get3A_391 = vector.shape_cast %get3A_390 : vector<1x16xi32> to vector<16xi32>
        %and3A_392 = arith.constant 32767 : i32
        %and3A_393 = vector.broadcast %and3A_392 : i32 to vector<16xi32>
        %and3A_394 = arith.andi %get3A_391, %and3A_393 : vector<16xi32>
        %swap3A_395 = arith.constant 32 : index
        %swap3A_396 = tpu.vector_load %arg9[%swap3A_395] {strides = array<i32>} : memref<128xi32, #tpu.memory_space<vmem>>, vector<16xi32>,
        %swap3A_397 = vector.shape_cast %swap3A_396 : vector<16xi32> to vector<16xi32>
        %swap3A_398 = vector.shape_cast %and3A_394 : vector<16xi32> to vector<16xi32>
        tpu.vector_store %arg9[%swap3A_395], %swap3A_398 {strides = array<i32>} : memref<128xi32, #tpu.memory_space<vmem>>, vector<16xi32>,
        %shift_right_arithmetic3A_399 = arith.constant 15 : i32
        %shift_right_arithmetic3A_400 = vector.broadcast %shift_right_arithmetic3A_399 : i32 to vector<16xi32>
        %shift_right_arithmetic3A_401 = arith.shrsi %get3A_391, %shift_right_arithmetic3A_400 : vector<16xi32>
        %swap3A_402 = arith.constant 32 : index
        %swap3A_403 = tpu.vector_load %arg10[%swap3A_402] {strides = array<i32>} : memref<128xi32, #tpu.memory_space<vmem>>, vector<16xi32>,
        %swap3A_404 = vector.shape_cast %swap3A_403 : vector<16xi32> to vector<16xi32>
        %swap3A_405 = vector.shape_cast %shift_right_arithmetic3A_401 : vector<16xi32> to vector<16xi32>
        tpu.vector_store %arg10[%swap3A_402], %swap3A_405 {strides = array<i32>} : memref<128xi32, #tpu.memory_space<vmem>>, vector<16xi32>,
        %get3A_406 = arith.index_cast %add3A_351 : i32 to index
        %get3A_407 = arith.constant 48 : index
        %get3A_408 = tpu.vector_load %arg6[%get3A_406, %get3A_407] {strides = array<i32>} : memref<104x128xi32, #tpu.memory_space<vmem>>, vector<1x16xi32>,
        %get3A_409 = vector.shape_cast %get3A_408 : vector<1x16xi32> to vector<16xi32>
        %and3A_410 = arith.constant 32767 : i32
        %and3A_411 = vector.broadcast %and3A_410 : i32 to vector<16xi32>
        %and3A_412 = arith.andi %get3A_409, %and3A_411 : vector<16xi32>
        %swap3A_413 = arith.constant 48 : index
        %swap3A_414 = tpu.vector_load %arg9[%swap3A_413] {strides = array<i32>} : memref<128xi32, #tpu.memory_space<vmem>>, vector<16xi32>,
        %swap3A_415 = vector.shape_cast %swap3A_414 : vector<16xi32> to vector<16xi32>
        %swap3A_416 = vector.shape_cast %and3A_412 : vector<16xi32> to vector<16xi32>
        tpu.vector_store %arg9[%swap3A_413], %swap3A_416 {strides = array<i32>} : memref<128xi32, #tpu.memory_space<vmem>>, vector<16xi32>,
        %shift_right_arithmetic3A_417 = arith.constant 15 : i32
        %shift_right_arithmetic3A_418 = vector.broadcast %shift_right_arithmetic3A_417 : i32 to vector<16xi32>
        %shift_right_arithmetic3A_419 = arith.shrsi %get3A_409, %shift_right_arithmetic3A_418 : vector<16xi32>
        %swap3A_420 = arith.constant 48 : index
        %swap3A_421 = tpu.vector_load %arg10[%swap3A_420] {strides = array<i32>} : memref<128xi32, #tpu.memory_space<vmem>>, vector<16xi32>,
        %swap3A_422 = vector.shape_cast %swap3A_421 : vector<16xi32> to vector<16xi32>
        %swap3A_423 = vector.shape_cast %shift_right_arithmetic3A_419 : vector<16xi32> to vector<16xi32>
        tpu.vector_store %arg10[%swap3A_420], %swap3A_423 {strides = array<i32>} : memref<128xi32, #tpu.memory_space<vmem>>, vector<16xi32>,
        %get3A_424 = arith.index_cast %add3A_351 : i32 to index
        %get3A_425 = arith.constant 64 : index
        %get3A_426 = tpu.vector_load %arg6[%get3A_424, %get3A_425] {strides = array<i32>} : memref<104x128xi32, #tpu.memory_space<vmem>>, vector<1x16xi32>,
        %get3A_427 = vector.shape_cast %get3A_426 : vector<1x16xi32> to vector<16xi32>
        %and3A_428 = arith.constant 32767 : i32
        %and3A_429 = vector.broadcast %and3A_428 : i32 to vector<16xi32>
        %and3A_430 = arith.andi %get3A_427, %and3A_429 : vector<16xi32>
        %swap3A_431 = arith.constant 64 : index
        %swap3A_432 = tpu.vector_load %arg9[%swap3A_431] {strides = array<i32>} : memref<128xi32, #tpu.memory_space<vmem>>, vector<16xi32>,
        %swap3A_433 = vector.shape_cast %swap3A_432 : vector<16xi32> to vector<16xi32>
        %swap3A_434 = vector.shape_cast %and3A_430 : vector<16xi32> to vector<16xi32>
        tpu.vector_store %arg9[%swap3A_431], %swap3A_434 {strides = array<i32>} : memref<128xi32, #tpu.memory_space<vmem>>, vector<16xi32>,
        %shift_right_arithmetic3A_435 = arith.constant 15 : i32
        %shift_right_arithmetic3A_436 = vector.broadcast %shift_right_arithmetic3A_435 : i32 to vector<16xi32>
        %shift_right_arithmetic3A_437 = arith.shrsi %get3A_427, %shift_right_arithmetic3A_436 : vector<16xi32>
        %swap3A_438 = arith.constant 64 : index
        %swap3A_439 = tpu.vector_load %arg10[%swap3A_438] {strides = array<i32>} : memref<128xi32, #tpu.memory_space<vmem>>, vector<16xi32>,
        %swap3A_440 = vector.shape_cast %swap3A_439 : vector<16xi32> to vector<16xi32>
        %swap3A_441 = vector.shape_cast %shift_right_arithmetic3A_437 : vector<16xi32> to vector<16xi32>
        tpu.vector_store %arg10[%swap3A_438], %swap3A_441 {strides = array<i32>} : memref<128xi32, #tpu.memory_space<vmem>>, vector<16xi32>,
        %get3A_442 = arith.index_cast %add3A_351 : i32 to index
        %get3A_443 = arith.constant 80 : index
        %get3A_444 = tpu.vector_load %arg6[%get3A_442, %get3A_443] {strides = array<i32>} : memref<104x128xi32, #tpu.memory_space<vmem>>, vector<1x16xi32>,
        %get3A_445 = vector.shape_cast %get3A_444 : vector<1x16xi32> to vector<16xi32>
        %and3A_446 = arith.constant 32767 : i32
        %and3A_447 = vector.broadcast %and3A_446 : i32 to vector<16xi32>
        %and3A_448 = arith.andi %get3A_445, %and3A_447 : vector<16xi32>
        %swap3A_449 = arith.constant 80 : index
        %swap3A_450 = tpu.vector_load %arg9[%swap3A_449] {strides = array<i32>} : memref<128xi32, #tpu.memory_space<vmem>>, vector<16xi32>,
        %swap3A_451 = vector.shape_cast %swap3A_450 : vector<16xi32> to vector<16xi32>
        %swap3A_452 = vector.shape_cast %and3A_448 : vector<16xi32> to vector<16xi32>
        tpu.vector_store %arg9[%swap3A_449], %swap3A_452 {strides = array<i32>} : memref<128xi32, #tpu.memory_space<vmem>>, vector<16xi32>,
        %shift_right_arithmetic3A_453 = arith.constant 15 : i32
        %shift_right_arithmetic3A_454 = vector.broadcast %shift_right_arithmetic3A_453 : i32 to vector<16xi32>
        %shift_right_arithmetic3A_455 = arith.shrsi %get3A_445, %shift_right_arithmetic3A_454 : vector<16xi32>
        %swap3A_456 = arith.constant 80 : index
        %swap3A_457 = tpu.vector_load %arg10[%swap3A_456] {strides = array<i32>} : memref<128xi32, #tpu.memory_space<vmem>>, vector<16xi32>,
        %swap3A_458 = vector.shape_cast %swap3A_457 : vector<16xi32> to vector<16xi32>
        %swap3A_459 = vector.shape_cast %shift_right_arithmetic3A_455 : vector<16xi32> to vector<16xi32>
        tpu.vector_store %arg10[%swap3A_456], %swap3A_459 {strides = array<i32>} : memref<128xi32, #tpu.memory_space<vmem>>, vector<16xi32>,
        %get3A_460 = arith.index_cast %add3A_351 : i32 to index
        %get3A_461 = arith.constant 96 : index
        %get3A_462 = tpu.vector_load %arg6[%get3A_460, %get3A_461] {strides = array<i32>} : memref<104x128xi32, #tpu.memory_space<vmem>>, vector<1x16xi32>,
        %get3A_463 = vector.shape_cast %get3A_462 : vector<1x16xi32> to vector<16xi32>
        %and3A_464 = arith.constant 32767 : i32
        %and3A_465 = vector.broadcast %and3A_464 : i32 to vector<16xi32>
        %and3A_466 = arith.andi %get3A_463, %and3A_465 : vector<16xi32>
        %swap3A_467 = arith.constant 96 : index
        %swap3A_468 = tpu.vector_load %arg9[%swap3A_467] {strides = array<i32>} : memref<128xi32, #tpu.memory_space<vmem>>, vector<16xi32>,
        %swap3A_469 = vector.shape_cast %swap3A_468 : vector<16xi32> to vector<16xi32>
        %swap3A_470 = vector.shape_cast %and3A_466 : vector<16xi32> to vector<16xi32>
        tpu.vector_store %arg9[%swap3A_467], %swap3A_470 {strides = array<i32>} : memref<128xi32, #tpu.memory_space<vmem>>, vector<16xi32>,
        %shift_right_arithmetic3A_471 = arith.constant 15 : i32
        %shift_right_arithmetic3A_472 = vector.broadcast %shift_right_arithmetic3A_471 : i32 to vector<16xi32>
        %shift_right_arithmetic3A_473 = arith.shrsi %get3A_463, %shift_right_arithmetic3A_472 : vector<16xi32>
        %swap3A_474 = arith.constant 96 : index
        %swap3A_475 = tpu.vector_load %arg10[%swap3A_474] {strides = array<i32>} : memref<128xi32, #tpu.memory_space<vmem>>, vector<16xi32>,
        %swap3A_476 = vector.shape_cast %swap3A_475 : vector<16xi32> to vector<16xi32>
        %swap3A_477 = vector.shape_cast %shift_right_arithmetic3A_473 : vector<16xi32> to vector<16xi32>
        tpu.vector_store %arg10[%swap3A_474], %swap3A_477 {strides = array<i32>} : memref<128xi32, #tpu.memory_space<vmem>>, vector<16xi32>,
        %get3A_478 = arith.index_cast %add3A_351 : i32 to index
        %get3A_479 = arith.constant 112 : index
        %get3A_480 = tpu.vector_load %arg6[%get3A_478, %get3A_479] {strides = array<i32>} : memref<104x128xi32, #tpu.memory_space<vmem>>, vector<1x16xi32>,
        %get3A_481 = vector.shape_cast %get3A_480 : vector<1x16xi32> to vector<16xi32>
        %and3A_482 = arith.constant 32767 : i32
        %and3A_483 = vector.broadcast %and3A_482 : i32 to vector<16xi32>
        %and3A_484 = arith.andi %get3A_481, %and3A_483 : vector<16xi32>
        %swap3A_485 = arith.constant 112 : index
        %swap3A_486 = tpu.vector_load %arg9[%swap3A_485] {strides = array<i32>} : memref<128xi32, #tpu.memory_space<vmem>>, vector<16xi32>,
        %swap3A_487 = vector.shape_cast %swap3A_486 : vector<16xi32> to vector<16xi32>
        %swap3A_488 = vector.shape_cast %and3A_484 : vector<16xi32> to vector<16xi32>
        tpu.vector_store %arg9[%swap3A_485], %swap3A_488 {strides = array<i32>} : memref<128xi32, #tpu.memory_space<vmem>>, vector<16xi32>,
        %shift_right_arithmetic3A_489 = arith.constant 15 : i32
        %shift_right_arithmetic3A_490 = vector.broadcast %shift_right_arithmetic3A_489 : i32 to vector<16xi32>
        %shift_right_arithmetic3A_491 = arith.shrsi %get3A_481, %shift_right_arithmetic3A_490 : vector<16xi32>
        %swap3A_492 = arith.constant 112 : index
        %swap3A_493 = tpu.vector_load %arg10[%swap3A_492] {strides = array<i32>} : memref<128xi32, #tpu.memory_space<vmem>>, vector<16xi32>,
        %swap3A_494 = vector.shape_cast %swap3A_493 : vector<16xi32> to vector<16xi32>
        %swap3A_495 = vector.shape_cast %shift_right_arithmetic3A_491 : vector<16xi32> to vector<16xi32>
        tpu.vector_store %arg10[%swap3A_492], %swap3A_495 {strides = array<i32>} : memref<128xi32, #tpu.memory_space<vmem>>, vector<16xi32>,
        %dma_start3A_496 = arith.constant 0 : i32
        %dma_start3A_497 = arith.constant 0 : i32
        %dma_start3A_498 = tpu.memref_slice %arg2[%dma_start3A_496, %dma_start3A_497] : memref<30000x128xf32, #tpu.memory_space<hbm>> -> memref<30000x128xf32, #tpu.memory_space<hbm>>
        tpu.enqueue_indirect_dma source(%dma_start3A_498 : memref<30000x128xf32, #tpu.memory_space<hbm>>) target(%arg12 : memref<128x128xf32, #tpu.memory_space<vmem>>) offsets(%arg9 : memref<128xi32, #tpu.memory_space<vmem>>) semaphore(%arg15 : memref<!tpu.dma_semaphore, #tpu.memory_space<semaphore_mem>>)
      } else {
      }
    }
    %while3A_327 = arith.constant 1 : i32
    scf.for %while3A_333 = %while3A_325 to %while3A_321 step %while3A_327  : i32 {
      %mul3A_334 = arith.muli %while3A_333, %while3A : i32
      %add3A_335 = arith.addi %while3A_318, %mul3A_334 : i32
      %dma_wait3A = arith.constant 0 : i32
      %dma_wait3A_336 = arith.constant 0 : i32
      %dma_wait3A_337 = tpu.memref_slice %arg2[%dma_wait3A, %dma_wait3A_336] : memref<30000x128xf32, #tpu.memory_space<hbm>> -> memref<30000x128xf32, #tpu.memory_space<hbm>>
      tpu.wait_indirect_dma semaphore(%arg14 : memref<!tpu.dma_semaphore, #tpu.memory_space<semaphore_mem>>) src(%dma_wait3A_337 : memref<30000x128xf32, #tpu.memory_space<hbm>>) dst(%arg11 : memref<128x128xf32, #tpu.memory_space<vmem>>)
      "tpu.region"() ({
        %run_scoped3A = tpu.sem_alloc : memref<!tpu.dma_semaphore, #tpu.memory_space<semaphore_mem>>
        %dma_start3A_350 = arith.constant 0 : i32
        %dma_start3A_351 = arith.constant 0 : i32
        %dma_start3A_352 = tpu.memref_slice %arg13[%dma_start3A_350, %dma_start3A_351] : memref<10240x128xf32, #tpu.memory_space<vmem_shared>> -> memref<10240x128xf32, #tpu.memory_space<vmem_shared>>
        tpu.enqueue_indirect_dma source(%arg11 : memref<128x128xf32, #tpu.memory_space<vmem>>) target(%dma_start3A_352 : memref<10240x128xf32, #tpu.memory_space<vmem_shared>>) offsets(%arg8 : memref<128xi32, #tpu.memory_space<vmem>>) semaphore(%run_scoped3A : memref<!tpu.dma_semaphore, #tpu.memory_space<semaphore_mem>>) {add = true}
        %dma_wait3A_353 = arith.constant 0 : i32
        %dma_wait3A_354 = arith.constant 0 : i32
        %dma_wait3A_355 = tpu.memref_slice %arg13[%dma_wait3A_353, %dma_wait3A_354] : memref<10240x128xf32, #tpu.memory_space<vmem_shared>> -> memref<10240x128xf32, #tpu.memory_space<vmem_shared>>
        tpu.wait_indirect_dma semaphore(%run_scoped3A : memref<!tpu.dma_semaphore, #tpu.memory_space<semaphore_mem>>) src(%arg11 : memref<128x128xf32, #tpu.memory_space<vmem>>) dst(%dma_wait3A_355 : memref<10240x128xf32, #tpu.memory_space<vmem_shared>>)
        tpu.yield
      }) : () -> ()
      %add3A_338 = arith.constant 2 : i32
      %add3A_339 = arith.addi %add3A_335, %add3A_338 : i32
      %lt3A = arith.cmpi slt, %add3A_339, %select_n3A : i32
      %convert_element_type3A = arith.extui %lt3A : i1 to i32
      %cond3A = arith.constant 0 : i32
      %cond3A_340 = arith.cmpi ne, %convert_element_type3A, %cond3A : i32
      scf.if %cond3A_340 {
        %add3A_350 = arith.constant 2 : i32
        %add3A_351 = arith.addi %add3A_335, %add3A_350 : i32
        %get3A_352 = arith.index_cast %add3A_351 : i32 to index
        %get3A_353 = arith.constant 0 : index
        %get3A_354 = tpu.vector_load %arg6[%get3A_352, %get3A_353] {strides = array<i32>} : memref<104x128xi32, #tpu.memory_space<vmem>>, vector<1x16xi32>,
        %get3A_355 = vector.shape_cast %get3A_354 : vector<1x16xi32> to vector<16xi32>
        %and3A_356 = arith.constant 32767 : i32
        %and3A_357 = vector.broadcast %and3A_356 : i32 to vector<16xi32>
        %and3A_358 = arith.andi %get3A_355, %and3A_357 : vector<16xi32>
        %swap3A_359 = arith.constant 0 : index
        %swap3A_360 = tpu.vector_load %arg7[%swap3A_359] {strides = array<i32>} : memref<128xi32, #tpu.memory_space<vmem>>, vector<16xi32>,
        %swap3A_361 = vector.shape_cast %swap3A_360 : vector<16xi32> to vector<16xi32>
        %swap3A_362 = vector.shape_cast %and3A_358 : vector<16xi32> to vector<16xi32>
        tpu.vector_store %arg7[%swap3A_359], %swap3A_362 {strides = array<i32>} : memref<128xi32, #tpu.memory_space<vmem>>, vector<16xi32>,
        %shift_right_arithmetic3A_363 = arith.constant 15 : i32
        %shift_right_arithmetic3A_364 = vector.broadcast %shift_right_arithmetic3A_363 : i32 to vector<16xi32>
        %shift_right_arithmetic3A_365 = arith.shrsi %get3A_355, %shift_right_arithmetic3A_364 : vector<16xi32>
        %swap3A_366 = arith.constant 0 : index
        %swap3A_367 = tpu.vector_load %arg8[%swap3A_366] {strides = array<i32>} : memref<128xi32, #tpu.memory_space<vmem>>, vector<16xi32>,
        %swap3A_368 = vector.shape_cast %swap3A_367 : vector<16xi32> to vector<16xi32>
        %swap3A_369 = vector.shape_cast %shift_right_arithmetic3A_365 : vector<16xi32> to vector<16xi32>
        tpu.vector_store %arg8[%swap3A_366], %swap3A_369 {strides = array<i32>} : memref<128xi32, #tpu.memory_space<vmem>>, vector<16xi32>,
        %get3A_370 = arith.index_cast %add3A_351 : i32 to index
        %get3A_371 = arith.constant 16 : index
        %get3A_372 = tpu.vector_load %arg6[%get3A_370, %get3A_371] {strides = array<i32>} : memref<104x128xi32, #tpu.memory_space<vmem>>, vector<1x16xi32>,
        %get3A_373 = vector.shape_cast %get3A_372 : vector<1x16xi32> to vector<16xi32>
        %and3A_374 = arith.constant 32767 : i32
        %and3A_375 = vector.broadcast %and3A_374 : i32 to vector<16xi32>
        %and3A_376 = arith.andi %get3A_373, %and3A_375 : vector<16xi32>
        %swap3A_377 = arith.constant 16 : index
        %swap3A_378 = tpu.vector_load %arg7[%swap3A_377] {strides = array<i32>} : memref<128xi32, #tpu.memory_space<vmem>>, vector<16xi32>,
        %swap3A_379 = vector.shape_cast %swap3A_378 : vector<16xi32> to vector<16xi32>
        %swap3A_380 = vector.shape_cast %and3A_376 : vector<16xi32> to vector<16xi32>
        tpu.vector_store %arg7[%swap3A_377], %swap3A_380 {strides = array<i32>} : memref<128xi32, #tpu.memory_space<vmem>>, vector<16xi32>,
        %shift_right_arithmetic3A_381 = arith.constant 15 : i32
        %shift_right_arithmetic3A_382 = vector.broadcast %shift_right_arithmetic3A_381 : i32 to vector<16xi32>
        %shift_right_arithmetic3A_383 = arith.shrsi %get3A_373, %shift_right_arithmetic3A_382 : vector<16xi32>
        %swap3A_384 = arith.constant 16 : index
        %swap3A_385 = tpu.vector_load %arg8[%swap3A_384] {strides = array<i32>} : memref<128xi32, #tpu.memory_space<vmem>>, vector<16xi32>,
        %swap3A_386 = vector.shape_cast %swap3A_385 : vector<16xi32> to vector<16xi32>
        %swap3A_387 = vector.shape_cast %shift_right_arithmetic3A_383 : vector<16xi32> to vector<16xi32>
        tpu.vector_store %arg8[%swap3A_384], %swap3A_387 {strides = array<i32>} : memref<128xi32, #tpu.memory_space<vmem>>, vector<16xi32>,
        %get3A_388 = arith.index_cast %add3A_351 : i32 to index
        %get3A_389 = arith.constant 32 : index
        %get3A_390 = tpu.vector_load %arg6[%get3A_388, %get3A_389] {strides = array<i32>} : memref<104x128xi32, #tpu.memory_space<vmem>>, vector<1x16xi32>,
        %get3A_391 = vector.shape_cast %get3A_390 : vector<1x16xi32> to vector<16xi32>
        %and3A_392 = arith.constant 32767 : i32
        %and3A_393 = vector.broadcast %and3A_392 : i32 to vector<16xi32>
        %and3A_394 = arith.andi %get3A_391, %and3A_393 : vector<16xi32>
        %swap3A_395 = arith.constant 32 : index
        %swap3A_396 = tpu.vector_load %arg7[%swap3A_395] {strides = array<i32>} : memref<128xi32, #tpu.memory_space<vmem>>, vector<16xi32>,
        %swap3A_397 = vector.shape_cast %swap3A_396 : vector<16xi32> to vector<16xi32>
        %swap3A_398 = vector.shape_cast %and3A_394 : vector<16xi32> to vector<16xi32>
        tpu.vector_store %arg7[%swap3A_395], %swap3A_398 {strides = array<i32>} : memref<128xi32, #tpu.memory_space<vmem>>, vector<16xi32>,
        %shift_right_arithmetic3A_399 = arith.constant 15 : i32
        %shift_right_arithmetic3A_400 = vector.broadcast %shift_right_arithmetic3A_399 : i32 to vector<16xi32>
        %shift_right_arithmetic3A_401 = arith.shrsi %get3A_391, %shift_right_arithmetic3A_400 : vector<16xi32>
        %swap3A_402 = arith.constant 32 : index
        %swap3A_403 = tpu.vector_load %arg8[%swap3A_402] {strides = array<i32>} : memref<128xi32, #tpu.memory_space<vmem>>, vector<16xi32>,
        %swap3A_404 = vector.shape_cast %swap3A_403 : vector<16xi32> to vector<16xi32>
        %swap3A_405 = vector.shape_cast %shift_right_arithmetic3A_401 : vector<16xi32> to vector<16xi32>
        tpu.vector_store %arg8[%swap3A_402], %swap3A_405 {strides = array<i32>} : memref<128xi32, #tpu.memory_space<vmem>>, vector<16xi32>,
        %get3A_406 = arith.index_cast %add3A_351 : i32 to index
        %get3A_407 = arith.constant 48 : index
        %get3A_408 = tpu.vector_load %arg6[%get3A_406, %get3A_407] {strides = array<i32>} : memref<104x128xi32, #tpu.memory_space<vmem>>, vector<1x16xi32>,
        %get3A_409 = vector.shape_cast %get3A_408 : vector<1x16xi32> to vector<16xi32>
        %and3A_410 = arith.constant 32767 : i32
        %and3A_411 = vector.broadcast %and3A_410 : i32 to vector<16xi32>
        %and3A_412 = arith.andi %get3A_409, %and3A_411 : vector<16xi32>
        %swap3A_413 = arith.constant 48 : index
        %swap3A_414 = tpu.vector_load %arg7[%swap3A_413] {strides = array<i32>} : memref<128xi32, #tpu.memory_space<vmem>>, vector<16xi32>,
        %swap3A_415 = vector.shape_cast %swap3A_414 : vector<16xi32> to vector<16xi32>
        %swap3A_416 = vector.shape_cast %and3A_412 : vector<16xi32> to vector<16xi32>
        tpu.vector_store %arg7[%swap3A_413], %swap3A_416 {strides = array<i32>} : memref<128xi32, #tpu.memory_space<vmem>>, vector<16xi32>,
        %shift_right_arithmetic3A_417 = arith.constant 15 : i32
        %shift_right_arithmetic3A_418 = vector.broadcast %shift_right_arithmetic3A_417 : i32 to vector<16xi32>
        %shift_right_arithmetic3A_419 = arith.shrsi %get3A_409, %shift_right_arithmetic3A_418 : vector<16xi32>
        %swap3A_420 = arith.constant 48 : index
        %swap3A_421 = tpu.vector_load %arg8[%swap3A_420] {strides = array<i32>} : memref<128xi32, #tpu.memory_space<vmem>>, vector<16xi32>,
        %swap3A_422 = vector.shape_cast %swap3A_421 : vector<16xi32> to vector<16xi32>
        %swap3A_423 = vector.shape_cast %shift_right_arithmetic3A_419 : vector<16xi32> to vector<16xi32>
        tpu.vector_store %arg8[%swap3A_420], %swap3A_423 {strides = array<i32>} : memref<128xi32, #tpu.memory_space<vmem>>, vector<16xi32>,
        %get3A_424 = arith.index_cast %add3A_351 : i32 to index
        %get3A_425 = arith.constant 64 : index
        %get3A_426 = tpu.vector_load %arg6[%get3A_424, %get3A_425] {strides = array<i32>} : memref<104x128xi32, #tpu.memory_space<vmem>>, vector<1x16xi32>,
        %get3A_427 = vector.shape_cast %get3A_426 : vector<1x16xi32> to vector<16xi32>
        %and3A_428 = arith.constant 32767 : i32
        %and3A_429 = vector.broadcast %and3A_428 : i32 to vector<16xi32>
        %and3A_430 = arith.andi %get3A_427, %and3A_429 : vector<16xi32>
        %swap3A_431 = arith.constant 64 : index
        %swap3A_432 = tpu.vector_load %arg7[%swap3A_431] {strides = array<i32>} : memref<128xi32, #tpu.memory_space<vmem>>, vector<16xi32>,
        %swap3A_433 = vector.shape_cast %swap3A_432 : vector<16xi32> to vector<16xi32>
        %swap3A_434 = vector.shape_cast %and3A_430 : vector<16xi32> to vector<16xi32>
        tpu.vector_store %arg7[%swap3A_431], %swap3A_434 {strides = array<i32>} : memref<128xi32, #tpu.memory_space<vmem>>, vector<16xi32>,
        %shift_right_arithmetic3A_435 = arith.constant 15 : i32
        %shift_right_arithmetic3A_436 = vector.broadcast %shift_right_arithmetic3A_435 : i32 to vector<16xi32>
        %shift_right_arithmetic3A_437 = arith.shrsi %get3A_427, %shift_right_arithmetic3A_436 : vector<16xi32>
        %swap3A_438 = arith.constant 64 : index
        %swap3A_439 = tpu.vector_load %arg8[%swap3A_438] {strides = array<i32>} : memref<128xi32, #tpu.memory_space<vmem>>, vector<16xi32>,
        %swap3A_440 = vector.shape_cast %swap3A_439 : vector<16xi32> to vector<16xi32>
        %swap3A_441 = vector.shape_cast %shift_right_arithmetic3A_437 : vector<16xi32> to vector<16xi32>
        tpu.vector_store %arg8[%swap3A_438], %swap3A_441 {strides = array<i32>} : memref<128xi32, #tpu.memory_space<vmem>>, vector<16xi32>,
        %get3A_442 = arith.index_cast %add3A_351 : i32 to index
        %get3A_443 = arith.constant 80 : index
        %get3A_444 = tpu.vector_load %arg6[%get3A_442, %get3A_443] {strides = array<i32>} : memref<104x128xi32, #tpu.memory_space<vmem>>, vector<1x16xi32>,
        %get3A_445 = vector.shape_cast %get3A_444 : vector<1x16xi32> to vector<16xi32>
        %and3A_446 = arith.constant 32767 : i32
        %and3A_447 = vector.broadcast %and3A_446 : i32 to vector<16xi32>
        %and3A_448 = arith.andi %get3A_445, %and3A_447 : vector<16xi32>
        %swap3A_449 = arith.constant 80 : index
        %swap3A_450 = tpu.vector_load %arg7[%swap3A_449] {strides = array<i32>} : memref<128xi32, #tpu.memory_space<vmem>>, vector<16xi32>,
        %swap3A_451 = vector.shape_cast %swap3A_450 : vector<16xi32> to vector<16xi32>
        %swap3A_452 = vector.shape_cast %and3A_448 : vector<16xi32> to vector<16xi32>
        tpu.vector_store %arg7[%swap3A_449], %swap3A_452 {strides = array<i32>} : memref<128xi32, #tpu.memory_space<vmem>>, vector<16xi32>,
        %shift_right_arithmetic3A_453 = arith.constant 15 : i32
        %shift_right_arithmetic3A_454 = vector.broadcast %shift_right_arithmetic3A_453 : i32 to vector<16xi32>
        %shift_right_arithmetic3A_455 = arith.shrsi %get3A_445, %shift_right_arithmetic3A_454 : vector<16xi32>
        %swap3A_456 = arith.constant 80 : index
        %swap3A_457 = tpu.vector_load %arg8[%swap3A_456] {strides = array<i32>} : memref<128xi32, #tpu.memory_space<vmem>>, vector<16xi32>,
        %swap3A_458 = vector.shape_cast %swap3A_457 : vector<16xi32> to vector<16xi32>
        %swap3A_459 = vector.shape_cast %shift_right_arithmetic3A_455 : vector<16xi32> to vector<16xi32>
        tpu.vector_store %arg8[%swap3A_456], %swap3A_459 {strides = array<i32>} : memref<128xi32, #tpu.memory_space<vmem>>, vector<16xi32>,
        %get3A_460 = arith.index_cast %add3A_351 : i32 to index
        %get3A_461 = arith.constant 96 : index
        %get3A_462 = tpu.vector_load %arg6[%get3A_460, %get3A_461] {strides = array<i32>} : memref<104x128xi32, #tpu.memory_space<vmem>>, vector<1x16xi32>,
        %get3A_463 = vector.shape_cast %get3A_462 : vector<1x16xi32> to vector<16xi32>
        %and3A_464 = arith.constant 32767 : i32
        %and3A_465 = vector.broadcast %and3A_464 : i32 to vector<16xi32>
        %and3A_466 = arith.andi %get3A_463, %and3A_465 : vector<16xi32>
        %swap3A_467 = arith.constant 96 : index
        %swap3A_468 = tpu.vector_load %arg7[%swap3A_467] {strides = array<i32>} : memref<128xi32, #tpu.memory_space<vmem>>, vector<16xi32>,
        %swap3A_469 = vector.shape_cast %swap3A_468 : vector<16xi32> to vector<16xi32>
        %swap3A_470 = vector.shape_cast %and3A_466 : vector<16xi32> to vector<16xi32>
        tpu.vector_store %arg7[%swap3A_467], %swap3A_470 {strides = array<i32>} : memref<128xi32, #tpu.memory_space<vmem>>, vector<16xi32>,
        %shift_right_arithmetic3A_471 = arith.constant 15 : i32
        %shift_right_arithmetic3A_472 = vector.broadcast %shift_right_arithmetic3A_471 : i32 to vector<16xi32>
        %shift_right_arithmetic3A_473 = arith.shrsi %get3A_463, %shift_right_arithmetic3A_472 : vector<16xi32>
        %swap3A_474 = arith.constant 96 : index
        %swap3A_475 = tpu.vector_load %arg8[%swap3A_474] {strides = array<i32>} : memref<128xi32, #tpu.memory_space<vmem>>, vector<16xi32>,
        %swap3A_476 = vector.shape_cast %swap3A_475 : vector<16xi32> to vector<16xi32>
        %swap3A_477 = vector.shape_cast %shift_right_arithmetic3A_473 : vector<16xi32> to vector<16xi32>
        tpu.vector_store %arg8[%swap3A_474], %swap3A_477 {strides = array<i32>} : memref<128xi32, #tpu.memory_space<vmem>>, vector<16xi32>,
        %get3A_478 = arith.index_cast %add3A_351 : i32 to index
        %get3A_479 = arith.constant 112 : index
        %get3A_480 = tpu.vector_load %arg6[%get3A_478, %get3A_479] {strides = array<i32>} : memref<104x128xi32, #tpu.memory_space<vmem>>, vector<1x16xi32>,
        %get3A_481 = vector.shape_cast %get3A_480 : vector<1x16xi32> to vector<16xi32>
        %and3A_482 = arith.constant 32767 : i32
        %and3A_483 = vector.broadcast %and3A_482 : i32 to vector<16xi32>
        %and3A_484 = arith.andi %get3A_481, %and3A_483 : vector<16xi32>
        %swap3A_485 = arith.constant 112 : index
        %swap3A_486 = tpu.vector_load %arg7[%swap3A_485] {strides = array<i32>} : memref<128xi32, #tpu.memory_space<vmem>>, vector<16xi32>,
        %swap3A_487 = vector.shape_cast %swap3A_486 : vector<16xi32> to vector<16xi32>
        %swap3A_488 = vector.shape_cast %and3A_484 : vector<16xi32> to vector<16xi32>
        tpu.vector_store %arg7[%swap3A_485], %swap3A_488 {strides = array<i32>} : memref<128xi32, #tpu.memory_space<vmem>>, vector<16xi32>,
        %shift_right_arithmetic3A_489 = arith.constant 15 : i32
        %shift_right_arithmetic3A_490 = vector.broadcast %shift_right_arithmetic3A_489 : i32 to vector<16xi32>
        %shift_right_arithmetic3A_491 = arith.shrsi %get3A_481, %shift_right_arithmetic3A_490 : vector<16xi32>
        %swap3A_492 = arith.constant 112 : index
        %swap3A_493 = tpu.vector_load %arg8[%swap3A_492] {strides = array<i32>} : memref<128xi32, #tpu.memory_space<vmem>>, vector<16xi32>,
        %swap3A_494 = vector.shape_cast %swap3A_493 : vector<16xi32> to vector<16xi32>
        %swap3A_495 = vector.shape_cast %shift_right_arithmetic3A_491 : vector<16xi32> to vector<16xi32>
        tpu.vector_store %arg8[%swap3A_492], %swap3A_495 {strides = array<i32>} : memref<128xi32, #tpu.memory_space<vmem>>, vector<16xi32>,
        %dma_start3A_496 = arith.constant 0 : i32
        %dma_start3A_497 = arith.constant 0 : i32
        %dma_start3A_498 = tpu.memref_slice %arg2[%dma_start3A_496, %dma_start3A_497] : memref<30000x128xf32, #tpu.memory_space<hbm>> -> memref<30000x128xf32, #tpu.memory_space<hbm>>
        tpu.enqueue_indirect_dma source(%dma_start3A_498 : memref<30000x128xf32, #tpu.memory_space<hbm>>) target(%arg11 : memref<128x128xf32, #tpu.memory_space<vmem>>) offsets(%arg7 : memref<128xi32, #tpu.memory_space<vmem>>) semaphore(%arg14 : memref<!tpu.dma_semaphore, #tpu.memory_space<semaphore_mem>>)
      } else {
      }
      %dma_wait3A_341 = arith.constant 0 : i32
      %dma_wait3A_342 = arith.constant 0 : i32
      %dma_wait3A_343 = tpu.memref_slice %arg2[%dma_wait3A_341, %dma_wait3A_342] : memref<30000x128xf32, #tpu.memory_space<hbm>> -> memref<30000x128xf32, #tpu.memory_space<hbm>>
      tpu.wait_indirect_dma semaphore(%arg15 : memref<!tpu.dma_semaphore, #tpu.memory_space<semaphore_mem>>) src(%dma_wait3A_343 : memref<30000x128xf32, #tpu.memory_space<hbm>>) dst(%arg12 : memref<128x128xf32, #tpu.memory_space<vmem>>)
      "tpu.region"() ({
        %run_scoped3A = tpu.sem_alloc : memref<!tpu.dma_semaphore, #tpu.memory_space<semaphore_mem>>
        %dma_start3A_350 = arith.constant 0 : i32
        %dma_start3A_351 = arith.constant 0 : i32
        %dma_start3A_352 = tpu.memref_slice %arg13[%dma_start3A_350, %dma_start3A_351] : memref<10240x128xf32, #tpu.memory_space<vmem_shared>> -> memref<10240x128xf32, #tpu.memory_space<vmem_shared>>
        tpu.enqueue_indirect_dma source(%arg12 : memref<128x128xf32, #tpu.memory_space<vmem>>) target(%dma_start3A_352 : memref<10240x128xf32, #tpu.memory_space<vmem_shared>>) offsets(%arg10 : memref<128xi32, #tpu.memory_space<vmem>>) semaphore(%run_scoped3A : memref<!tpu.dma_semaphore, #tpu.memory_space<semaphore_mem>>) {add = true}
        %dma_wait3A_353 = arith.constant 0 : i32
        %dma_wait3A_354 = arith.constant 0 : i32
        %dma_wait3A_355 = tpu.memref_slice %arg13[%dma_wait3A_353, %dma_wait3A_354] : memref<10240x128xf32, #tpu.memory_space<vmem_shared>> -> memref<10240x128xf32, #tpu.memory_space<vmem_shared>>
        tpu.wait_indirect_dma semaphore(%run_scoped3A : memref<!tpu.dma_semaphore, #tpu.memory_space<semaphore_mem>>) src(%arg12 : memref<128x128xf32, #tpu.memory_space<vmem>>) dst(%dma_wait3A_355 : memref<10240x128xf32, #tpu.memory_space<vmem_shared>>)
        tpu.yield
      }) : () -> ()
      %add3A_344 = arith.constant 3 : i32
      %add3A_345 = arith.addi %add3A_335, %add3A_344 : i32
      %lt3A_346 = arith.cmpi slt, %add3A_345, %select_n3A : i32
      %convert_element_type3A_347 = arith.extui %lt3A_346 : i1 to i32
      %cond3A_348 = arith.constant 0 : i32
      %cond3A_349 = arith.cmpi ne, %convert_element_type3A_347, %cond3A_348 : i32
      scf.if %cond3A_349 {
        %add3A_350 = arith.constant 3 : i32
        %add3A_351 = arith.addi %add3A_335, %add3A_350 : i32
        %get3A_352 = arith.index_cast %add3A_351 : i32 to index
        %get3A_353 = arith.constant 0 : index
        %get3A_354 = tpu.vector_load %arg6[%get3A_352, %get3A_353] {strides = array<i32>} : memref<104x128xi32, #tpu.memory_space<vmem>>, vector<1x16xi32>,
        %get3A_355 = vector.shape_cast %get3A_354 : vector<1x16xi32> to vector<16xi32>
        %and3A_356 = arith.constant 32767 : i32
        %and3A_357 = vector.broadcast %and3A_356 : i32 to vector<16xi32>
        %and3A_358 = arith.andi %get3A_355, %and3A_357 : vector<16xi32>
        %swap3A_359 = arith.constant 0 : index
        %swap3A_360 = tpu.vector_load %arg9[%swap3A_359] {strides = array<i32>} : memref<128xi32, #tpu.memory_space<vmem>>, vector<16xi32>,
        %swap3A_361 = vector.shape_cast %swap3A_360 : vector<16xi32> to vector<16xi32>
        %swap3A_362 = vector.shape_cast %and3A_358 : vector<16xi32> to vector<16xi32>
        tpu.vector_store %arg9[%swap3A_359], %swap3A_362 {strides = array<i32>} : memref<128xi32, #tpu.memory_space<vmem>>, vector<16xi32>,
        %shift_right_arithmetic3A_363 = arith.constant 15 : i32
        %shift_right_arithmetic3A_364 = vector.broadcast %shift_right_arithmetic3A_363 : i32 to vector<16xi32>
        %shift_right_arithmetic3A_365 = arith.shrsi %get3A_355, %shift_right_arithmetic3A_364 : vector<16xi32>
        %swap3A_366 = arith.constant 0 : index
        %swap3A_367 = tpu.vector_load %arg10[%swap3A_366] {strides = array<i32>} : memref<128xi32, #tpu.memory_space<vmem>>, vector<16xi32>,
        %swap3A_368 = vector.shape_cast %swap3A_367 : vector<16xi32> to vector<16xi32>
        %swap3A_369 = vector.shape_cast %shift_right_arithmetic3A_365 : vector<16xi32> to vector<16xi32>
        tpu.vector_store %arg10[%swap3A_366], %swap3A_369 {strides = array<i32>} : memref<128xi32, #tpu.memory_space<vmem>>, vector<16xi32>,
        %get3A_370 = arith.index_cast %add3A_351 : i32 to index
        %get3A_371 = arith.constant 16 : index
        %get3A_372 = tpu.vector_load %arg6[%get3A_370, %get3A_371] {strides = array<i32>} : memref<104x128xi32, #tpu.memory_space<vmem>>, vector<1x16xi32>,
        %get3A_373 = vector.shape_cast %get3A_372 : vector<1x16xi32> to vector<16xi32>
        %and3A_374 = arith.constant 32767 : i32
        %and3A_375 = vector.broadcast %and3A_374 : i32 to vector<16xi32>
        %and3A_376 = arith.andi %get3A_373, %and3A_375 : vector<16xi32>
        %swap3A_377 = arith.constant 16 : index
        %swap3A_378 = tpu.vector_load %arg9[%swap3A_377] {strides = array<i32>} : memref<128xi32, #tpu.memory_space<vmem>>, vector<16xi32>,
        %swap3A_379 = vector.shape_cast %swap3A_378 : vector<16xi32> to vector<16xi32>
        %swap3A_380 = vector.shape_cast %and3A_376 : vector<16xi32> to vector<16xi32>
        tpu.vector_store %arg9[%swap3A_377], %swap3A_380 {strides = array<i32>} : memref<128xi32, #tpu.memory_space<vmem>>, vector<16xi32>,
        %shift_right_arithmetic3A_381 = arith.constant 15 : i32
        %shift_right_arithmetic3A_382 = vector.broadcast %shift_right_arithmetic3A_381 : i32 to vector<16xi32>
        %shift_right_arithmetic3A_383 = arith.shrsi %get3A_373, %shift_right_arithmetic3A_382 : vector<16xi32>
        %swap3A_384 = arith.constant 16 : index
        %swap3A_385 = tpu.vector_load %arg10[%swap3A_384] {strides = array<i32>} : memref<128xi32, #tpu.memory_space<vmem>>, vector<16xi32>,
        %swap3A_386 = vector.shape_cast %swap3A_385 : vector<16xi32> to vector<16xi32>
        %swap3A_387 = vector.shape_cast %shift_right_arithmetic3A_383 : vector<16xi32> to vector<16xi32>
        tpu.vector_store %arg10[%swap3A_384], %swap3A_387 {strides = array<i32>} : memref<128xi32, #tpu.memory_space<vmem>>, vector<16xi32>,
        %get3A_388 = arith.index_cast %add3A_351 : i32 to index
        %get3A_389 = arith.constant 32 : index
        %get3A_390 = tpu.vector_load %arg6[%get3A_388, %get3A_389] {strides = array<i32>} : memref<104x128xi32, #tpu.memory_space<vmem>>, vector<1x16xi32>,
        %get3A_391 = vector.shape_cast %get3A_390 : vector<1x16xi32> to vector<16xi32>
        %and3A_392 = arith.constant 32767 : i32
        %and3A_393 = vector.broadcast %and3A_392 : i32 to vector<16xi32>
        %and3A_394 = arith.andi %get3A_391, %and3A_393 : vector<16xi32>
        %swap3A_395 = arith.constant 32 : index
        %swap3A_396 = tpu.vector_load %arg9[%swap3A_395] {strides = array<i32>} : memref<128xi32, #tpu.memory_space<vmem>>, vector<16xi32>,
        %swap3A_397 = vector.shape_cast %swap3A_396 : vector<16xi32> to vector<16xi32>
        %swap3A_398 = vector.shape_cast %and3A_394 : vector<16xi32> to vector<16xi32>
        tpu.vector_store %arg9[%swap3A_395], %swap3A_398 {strides = array<i32>} : memref<128xi32, #tpu.memory_space<vmem>>, vector<16xi32>,
        %shift_right_arithmetic3A_399 = arith.constant 15 : i32
        %shift_right_arithmetic3A_400 = vector.broadcast %shift_right_arithmetic3A_399 : i32 to vector<16xi32>
        %shift_right_arithmetic3A_401 = arith.shrsi %get3A_391, %shift_right_arithmetic3A_400 : vector<16xi32>
        %swap3A_402 = arith.constant 32 : index
        %swap3A_403 = tpu.vector_load %arg10[%swap3A_402] {strides = array<i32>} : memref<128xi32, #tpu.memory_space<vmem>>, vector<16xi32>,
        %swap3A_404 = vector.shape_cast %swap3A_403 : vector<16xi32> to vector<16xi32>
        %swap3A_405 = vector.shape_cast %shift_right_arithmetic3A_401 : vector<16xi32> to vector<16xi32>
        tpu.vector_store %arg10[%swap3A_402], %swap3A_405 {strides = array<i32>} : memref<128xi32, #tpu.memory_space<vmem>>, vector<16xi32>,
        %get3A_406 = arith.index_cast %add3A_351 : i32 to index
        %get3A_407 = arith.constant 48 : index
        %get3A_408 = tpu.vector_load %arg6[%get3A_406, %get3A_407] {strides = array<i32>} : memref<104x128xi32, #tpu.memory_space<vmem>>, vector<1x16xi32>,
        %get3A_409 = vector.shape_cast %get3A_408 : vector<1x16xi32> to vector<16xi32>
        %and3A_410 = arith.constant 32767 : i32
        %and3A_411 = vector.broadcast %and3A_410 : i32 to vector<16xi32>
        %and3A_412 = arith.andi %get3A_409, %and3A_411 : vector<16xi32>
        %swap3A_413 = arith.constant 48 : index
        %swap3A_414 = tpu.vector_load %arg9[%swap3A_413] {strides = array<i32>} : memref<128xi32, #tpu.memory_space<vmem>>, vector<16xi32>,
        %swap3A_415 = vector.shape_cast %swap3A_414 : vector<16xi32> to vector<16xi32>
        %swap3A_416 = vector.shape_cast %and3A_412 : vector<16xi32> to vector<16xi32>
        tpu.vector_store %arg9[%swap3A_413], %swap3A_416 {strides = array<i32>} : memref<128xi32, #tpu.memory_space<vmem>>, vector<16xi32>,
        %shift_right_arithmetic3A_417 = arith.constant 15 : i32
        %shift_right_arithmetic3A_418 = vector.broadcast %shift_right_arithmetic3A_417 : i32 to vector<16xi32>
        %shift_right_arithmetic3A_419 = arith.shrsi %get3A_409, %shift_right_arithmetic3A_418 : vector<16xi32>
        %swap3A_420 = arith.constant 48 : index
        %swap3A_421 = tpu.vector_load %arg10[%swap3A_420] {strides = array<i32>} : memref<128xi32, #tpu.memory_space<vmem>>, vector<16xi32>,
        %swap3A_422 = vector.shape_cast %swap3A_421 : vector<16xi32> to vector<16xi32>
        %swap3A_423 = vector.shape_cast %shift_right_arithmetic3A_419 : vector<16xi32> to vector<16xi32>
        tpu.vector_store %arg10[%swap3A_420], %swap3A_423 {strides = array<i32>} : memref<128xi32, #tpu.memory_space<vmem>>, vector<16xi32>,
        %get3A_424 = arith.index_cast %add3A_351 : i32 to index
        %get3A_425 = arith.constant 64 : index
        %get3A_426 = tpu.vector_load %arg6[%get3A_424, %get3A_425] {strides = array<i32>} : memref<104x128xi32, #tpu.memory_space<vmem>>, vector<1x16xi32>,
        %get3A_427 = vector.shape_cast %get3A_426 : vector<1x16xi32> to vector<16xi32>
        %and3A_428 = arith.constant 32767 : i32
        %and3A_429 = vector.broadcast %and3A_428 : i32 to vector<16xi32>
        %and3A_430 = arith.andi %get3A_427, %and3A_429 : vector<16xi32>
        %swap3A_431 = arith.constant 64 : index
        %swap3A_432 = tpu.vector_load %arg9[%swap3A_431] {strides = array<i32>} : memref<128xi32, #tpu.memory_space<vmem>>, vector<16xi32>,
        %swap3A_433 = vector.shape_cast %swap3A_432 : vector<16xi32> to vector<16xi32>
        %swap3A_434 = vector.shape_cast %and3A_430 : vector<16xi32> to vector<16xi32>
        tpu.vector_store %arg9[%swap3A_431], %swap3A_434 {strides = array<i32>} : memref<128xi32, #tpu.memory_space<vmem>>, vector<16xi32>,
        %shift_right_arithmetic3A_435 = arith.constant 15 : i32
        %shift_right_arithmetic3A_436 = vector.broadcast %shift_right_arithmetic3A_435 : i32 to vector<16xi32>
        %shift_right_arithmetic3A_437 = arith.shrsi %get3A_427, %shift_right_arithmetic3A_436 : vector<16xi32>
        %swap3A_438 = arith.constant 64 : index
        %swap3A_439 = tpu.vector_load %arg10[%swap3A_438] {strides = array<i32>} : memref<128xi32, #tpu.memory_space<vmem>>, vector<16xi32>,
        %swap3A_440 = vector.shape_cast %swap3A_439 : vector<16xi32> to vector<16xi32>
        %swap3A_441 = vector.shape_cast %shift_right_arithmetic3A_437 : vector<16xi32> to vector<16xi32>
        tpu.vector_store %arg10[%swap3A_438], %swap3A_441 {strides = array<i32>} : memref<128xi32, #tpu.memory_space<vmem>>, vector<16xi32>,
        %get3A_442 = arith.index_cast %add3A_351 : i32 to index
        %get3A_443 = arith.constant 80 : index
        %get3A_444 = tpu.vector_load %arg6[%get3A_442, %get3A_443] {strides = array<i32>} : memref<104x128xi32, #tpu.memory_space<vmem>>, vector<1x16xi32>,
        %get3A_445 = vector.shape_cast %get3A_444 : vector<1x16xi32> to vector<16xi32>
        %and3A_446 = arith.constant 32767 : i32
        %and3A_447 = vector.broadcast %and3A_446 : i32 to vector<16xi32>
        %and3A_448 = arith.andi %get3A_445, %and3A_447 : vector<16xi32>
        %swap3A_449 = arith.constant 80 : index
        %swap3A_450 = tpu.vector_load %arg9[%swap3A_449] {strides = array<i32>} : memref<128xi32, #tpu.memory_space<vmem>>, vector<16xi32>,
        %swap3A_451 = vector.shape_cast %swap3A_450 : vector<16xi32> to vector<16xi32>
        %swap3A_452 = vector.shape_cast %and3A_448 : vector<16xi32> to vector<16xi32>
        tpu.vector_store %arg9[%swap3A_449], %swap3A_452 {strides = array<i32>} : memref<128xi32, #tpu.memory_space<vmem>>, vector<16xi32>,
        %shift_right_arithmetic3A_453 = arith.constant 15 : i32
        %shift_right_arithmetic3A_454 = vector.broadcast %shift_right_arithmetic3A_453 : i32 to vector<16xi32>
        %shift_right_arithmetic3A_455 = arith.shrsi %get3A_445, %shift_right_arithmetic3A_454 : vector<16xi32>
        %swap3A_456 = arith.constant 80 : index
        %swap3A_457 = tpu.vector_load %arg10[%swap3A_456] {strides = array<i32>} : memref<128xi32, #tpu.memory_space<vmem>>, vector<16xi32>,
        %swap3A_458 = vector.shape_cast %swap3A_457 : vector<16xi32> to vector<16xi32>
        %swap3A_459 = vector.shape_cast %shift_right_arithmetic3A_455 : vector<16xi32> to vector<16xi32>
        tpu.vector_store %arg10[%swap3A_456], %swap3A_459 {strides = array<i32>} : memref<128xi32, #tpu.memory_space<vmem>>, vector<16xi32>,
        %get3A_460 = arith.index_cast %add3A_351 : i32 to index
        %get3A_461 = arith.constant 96 : index
        %get3A_462 = tpu.vector_load %arg6[%get3A_460, %get3A_461] {strides = array<i32>} : memref<104x128xi32, #tpu.memory_space<vmem>>, vector<1x16xi32>,
        %get3A_463 = vector.shape_cast %get3A_462 : vector<1x16xi32> to vector<16xi32>
        %and3A_464 = arith.constant 32767 : i32
        %and3A_465 = vector.broadcast %and3A_464 : i32 to vector<16xi32>
        %and3A_466 = arith.andi %get3A_463, %and3A_465 : vector<16xi32>
        %swap3A_467 = arith.constant 96 : index
        %swap3A_468 = tpu.vector_load %arg9[%swap3A_467] {strides = array<i32>} : memref<128xi32, #tpu.memory_space<vmem>>, vector<16xi32>,
        %swap3A_469 = vector.shape_cast %swap3A_468 : vector<16xi32> to vector<16xi32>
        %swap3A_470 = vector.shape_cast %and3A_466 : vector<16xi32> to vector<16xi32>
        tpu.vector_store %arg9[%swap3A_467], %swap3A_470 {strides = array<i32>} : memref<128xi32, #tpu.memory_space<vmem>>, vector<16xi32>,
        %shift_right_arithmetic3A_471 = arith.constant 15 : i32
        %shift_right_arithmetic3A_472 = vector.broadcast %shift_right_arithmetic3A_471 : i32 to vector<16xi32>
        %shift_right_arithmetic3A_473 = arith.shrsi %get3A_463, %shift_right_arithmetic3A_472 : vector<16xi32>
        %swap3A_474 = arith.constant 96 : index
        %swap3A_475 = tpu.vector_load %arg10[%swap3A_474] {strides = array<i32>} : memref<128xi32, #tpu.memory_space<vmem>>, vector<16xi32>,
        %swap3A_476 = vector.shape_cast %swap3A_475 : vector<16xi32> to vector<16xi32>
        %swap3A_477 = vector.shape_cast %shift_right_arithmetic3A_473 : vector<16xi32> to vector<16xi32>
        tpu.vector_store %arg10[%swap3A_474], %swap3A_477 {strides = array<i32>} : memref<128xi32, #tpu.memory_space<vmem>>, vector<16xi32>,
        %get3A_478 = arith.index_cast %add3A_351 : i32 to index
        %get3A_479 = arith.constant 112 : index
        %get3A_480 = tpu.vector_load %arg6[%get3A_478, %get3A_479] {strides = array<i32>} : memref<104x128xi32, #tpu.memory_space<vmem>>, vector<1x16xi32>,
        %get3A_481 = vector.shape_cast %get3A_480 : vector<1x16xi32> to vector<16xi32>
        %and3A_482 = arith.constant 32767 : i32
        %and3A_483 = vector.broadcast %and3A_482 : i32 to vector<16xi32>
        %and3A_484 = arith.andi %get3A_481, %and3A_483 : vector<16xi32>
        %swap3A_485 = arith.constant 112 : index
        %swap3A_486 = tpu.vector_load %arg9[%swap3A_485] {strides = array<i32>} : memref<128xi32, #tpu.memory_space<vmem>>, vector<16xi32>,
        %swap3A_487 = vector.shape_cast %swap3A_486 : vector<16xi32> to vector<16xi32>
        %swap3A_488 = vector.shape_cast %and3A_484 : vector<16xi32> to vector<16xi32>
        tpu.vector_store %arg9[%swap3A_485], %swap3A_488 {strides = array<i32>} : memref<128xi32, #tpu.memory_space<vmem>>, vector<16xi32>,
        %shift_right_arithmetic3A_489 = arith.constant 15 : i32
        %shift_right_arithmetic3A_490 = vector.broadcast %shift_right_arithmetic3A_489 : i32 to vector<16xi32>
        %shift_right_arithmetic3A_491 = arith.shrsi %get3A_481, %shift_right_arithmetic3A_490 : vector<16xi32>
        %swap3A_492 = arith.constant 112 : index
        %swap3A_493 = tpu.vector_load %arg10[%swap3A_492] {strides = array<i32>} : memref<128xi32, #tpu.memory_space<vmem>>, vector<16xi32>,
        %swap3A_494 = vector.shape_cast %swap3A_493 : vector<16xi32> to vector<16xi32>
        %swap3A_495 = vector.shape_cast %shift_right_arithmetic3A_491 : vector<16xi32> to vector<16xi32>
        tpu.vector_store %arg10[%swap3A_492], %swap3A_495 {strides = array<i32>} : memref<128xi32, #tpu.memory_space<vmem>>, vector<16xi32>,
        %dma_start3A_496 = arith.constant 0 : i32
        %dma_start3A_497 = arith.constant 0 : i32
        %dma_start3A_498 = tpu.memref_slice %arg2[%dma_start3A_496, %dma_start3A_497] : memref<30000x128xf32, #tpu.memory_space<hbm>> -> memref<30000x128xf32, #tpu.memory_space<hbm>>
        tpu.enqueue_indirect_dma source(%dma_start3A_498 : memref<30000x128xf32, #tpu.memory_space<hbm>>) target(%arg12 : memref<128x128xf32, #tpu.memory_space<vmem>>) offsets(%arg9 : memref<128xi32, #tpu.memory_space<vmem>>) semaphore(%arg15 : memref<!tpu.dma_semaphore, #tpu.memory_space<semaphore_mem>>)
      } else {
      }
    }
    %barrier3A_328 = arith.constant 0 : index
    tpu.barrier barrier_id(%barrier3A_328)
    %mul3A_329 = arith.constant 640 : i32
    %mul3A_330 = arith.muli %arg1, %mul3A_329 : i32
    %mul3A_331 = arith.constant 640 : i32
    %mul3A_332 = arith.muli %arg1, %mul3A_331 : i32
    "tpu.region"() ({
      %run_scoped3A = tpu.sem_alloc : memref<!tpu.dma_semaphore, #tpu.memory_space<semaphore_mem>>
      %dma_start3A_333 = arith.constant 0 : i32
      %dma_start3A_334 = tpu.memref_slice %arg5[%arg0, %mul3A_332, %dma_start3A_333] : memref<2x10240x128xf32, #tpu.memory_space<hbm>> -> memref<1x640x128xf32, #tpu.memory_space<hbm>>
      %dma_start3A_335 = tpu.memref_squeeze %dma_start3A_334 : memref<1x640x128xf32, #tpu.memory_space<hbm>> -> memref<640x128xf32, #tpu.memory_space<hbm>>
      %dma_start3A_336 = arith.constant 0 : i32
      %dma_start3A_337 = tpu.memref_slice %arg13[%mul3A_330, %dma_start3A_336] : memref<10240x128xf32, #tpu.memory_space<vmem_shared>> -> memref<640x128xf32, #tpu.memory_space<vmem_shared>>
      tpu.enqueue_dma source(%dma_start3A_337 : memref<640x128xf32, #tpu.memory_space<vmem_shared>>) target(%dma_start3A_335 : memref<640x128xf32, #tpu.memory_space<hbm>>) target_semaphore(%run_scoped3A : memref<!tpu.dma_semaphore, #tpu.memory_space<semaphore_mem>>)
      %dma_wait3A = arith.constant 0 : i32
      %dma_wait3A_338 = tpu.memref_slice %arg5[%arg0, %mul3A_332, %dma_wait3A] : memref<2x10240x128xf32, #tpu.memory_space<hbm>> -> memref<1x640x128xf32, #tpu.memory_space<hbm>>
      %dma_wait3A_339 = tpu.memref_squeeze %dma_wait3A_338 : memref<1x640x128xf32, #tpu.memory_space<hbm>> -> memref<640x128xf32, #tpu.memory_space<hbm>>
      %dma_wait3A_340 = arith.constant 0 : i32
      %dma_wait3A_341 = tpu.memref_slice %arg13[%mul3A_330, %dma_wait3A_340] : memref<10240x128xf32, #tpu.memory_space<vmem_shared>> -> memref<640x128xf32, #tpu.memory_space<vmem_shared>>
      tpu.wait_dma2 semaphore(%run_scoped3A : memref<!tpu.dma_semaphore, #tpu.memory_space<semaphore_mem>>) src(%dma_wait3A_341 : memref<640x128xf32, #tpu.memory_space<vmem_shared>>) dst(%dma_wait3A_339 : memref<640x128xf32, #tpu.memory_space<hbm>>)
      tpu.yield
    }) : () -> ()
    return
  }
}

module attributes {stable_mosaic.version = 14 : i64} {
  func.func @_relation_mm_body(%arg0: i32, %arg1: memref<10000x128xf32, #tpu.memory_space<vmem>>, %arg2: memref<1x128x128xf32, #tpu.memory_space<vmem>>, %arg3: memref<10000x128xf32, #tpu.memory_space<vmem>>) attributes {dimension_semantics = [#tpu.dimension_semantics<arbitrary>], iteration_bounds = array<i64: 3>, scalar_prefetch = 0 : i64, scratch_operands = 0 : i64, tpu.core_type = #tpu.core_type<tc>, window_params = [{pipeline_mode = #tpu.pipeline_mode<synchronous>, transform_indices = @transform_0, window_bounds = array<i64: 10000, 128>}, {transform_indices = @transform_1, window_bounds = array<i64: 1, 128, 128>}, {transform_indices = @transform_2, window_bounds = array<i64: 10000, 128>}]} {
    %get3A = arith.constant 0 : index
    %get3A_0 = arith.constant 0 : index
    %get3A_1 = vector.load %arg1[%get3A, %get3A_0] : memref<10000x128xf32, #tpu.memory_space<vmem>>, vector<10000x128xf32>
    %get3A_2 = arith.constant 0 : index
    %get3A_3 = arith.constant 0 : index
    %get3A_4 = arith.constant 0 : index
    %get3A_5 = vector.load %arg2[%get3A_2, %get3A_3, %get3A_4] : memref<1x128x128xf32, #tpu.memory_space<vmem>>, vector<1x128x128xf32>
    %get3A_6 = vector.shape_cast %get3A_5 : vector<1x128x128xf32> to vector<128x128xf32>
    %dot_general3A = arith.constant dense<0.000000e+00> : vector<10000x128xf32>
    %dot_general3A_7 = tpu.matmul %get3A_1, %get3A_6, %dot_general3A {dimension_numbers = #tpu.dot_dimension_numbers<[1], [0], [0], [1], [0, 0, 1, 1], [], []>, precision = #tpu.contract_precision<fp32>, transpose_lhs_hint = false} : vector<10000x128xf32>, vector<128x128xf32>, vector<10000x128xf32> -> vector<10000x128xf32>
    %swap3A = arith.constant 0 : index
    %swap3A_8 = arith.constant 0 : index
    %swap3A_9 = vector.load %arg3[%swap3A, %swap3A_8] : memref<10000x128xf32, #tpu.memory_space<vmem>>, vector<10000x128xf32>
    tpu.vector_store %arg3[%swap3A, %swap3A_8], %dot_general3A_7 {strides = array<i32>} : memref<10000x128xf32, #tpu.memory_space<vmem>>, vector<10000x128xf32>,
    return
  }
  func.func @transform_0(%arg0: i32) -> (i32, i32) {
    %c0_i32 = arith.constant 0 : i32
    %c0_i32_0 = arith.constant 0 : i32
    %c0_i32_1 = arith.constant 0 : i32
    return %c0_i32, %c0_i32_0 : i32, i32
  }
  func.func @transform_1(%arg0: i32) -> (i32, i32, i32) {
    %c0_i32 = arith.constant 0 : i32
    %c0_i32_0 = arith.constant 0 : i32
    %c0_i32_1 = arith.constant 0 : i32
    return %arg0, %c0_i32, %c0_i32_0 : i32, i32, i32
  }
  func.func @transform_2(%arg0: i32) -> (i32, i32) {
    %c0_i32 = arith.constant 0 : i32
    %c0_i32_0 = arith.constant 0 : i32
    return %arg0, %c0_i32 : i32, i32
  }
}

module attributes {stable_mosaic.version = 14 : i64} {
  func.func @_final_body(%arg0: i32, %arg1: memref<2000x128xf32, #tpu.memory_space<vmem>>, %arg2: memref<128x128xf32, #tpu.memory_space<vmem>>, %arg3: memref<1x2000x128xf32, #tpu.memory_space<vmem>>, %arg4: memref<1x2000x128xf32, #tpu.memory_space<vmem>>, %arg5: memref<2000x128xf32, #tpu.memory_space<vmem>>) attributes {dimension_semantics = [#tpu.dimension_semantics<arbitrary>], iteration_bounds = array<i64: 5>, scalar_prefetch = 0 : i64, scratch_operands = 0 : i64, tpu.core_type = #tpu.core_type<tc>, window_params = [{transform_indices = @transform_0, window_bounds = array<i64: 2000, 128>}, {pipeline_mode = #tpu.pipeline_mode<synchronous>, transform_indices = @transform_1, window_bounds = array<i64: 128, 128>}, {transform_indices = @transform_2, window_bounds = array<i64: 1, 2000, 128>}, {transform_indices = @transform_3, window_bounds = array<i64: 1, 2000, 128>}, {transform_indices = @transform_4, window_bounds = array<i64: 2000, 128>}]} {
    %get3A = arith.constant 0 : index
    %get3A_0 = arith.constant 0 : index
    %get3A_1 = vector.load %arg1[%get3A, %get3A_0] : memref<2000x128xf32, #tpu.memory_space<vmem>>, vector<2000x128xf32>
    %get3A_2 = arith.constant 0 : index
    %get3A_3 = arith.constant 0 : index
    %get3A_4 = vector.load %arg2[%get3A_2, %get3A_3] : memref<128x128xf32, #tpu.memory_space<vmem>>, vector<128x128xf32>
    %dot_general3A = arith.constant dense<0.000000e+00> : vector<2000x128xf32>
    %dot_general3A_5 = tpu.matmul %get3A_1, %get3A_4, %dot_general3A {dimension_numbers = #tpu.dot_dimension_numbers<[1], [0], [0], [1], [0, 0, 1, 1], [], []>, precision = #tpu.contract_precision<fp32>, transpose_lhs_hint = false} : vector<2000x128xf32>, vector<128x128xf32>, vector<2000x128xf32> -> vector<2000x128xf32>
    %get3A_6 = arith.constant 0 : index
    %get3A_7 = arith.constant 0 : index
    %get3A_8 = arith.constant 0 : index
    %get3A_9 = vector.load %arg3[%get3A_6, %get3A_7, %get3A_8] : memref<1x2000x128xf32, #tpu.memory_space<vmem>>, vector<1x2000x128xf32>
    %get3A_10 = vector.shape_cast %get3A_9 : vector<1x2000x128xf32> to vector<2000x128xf32>
    %add3A = arith.addf %dot_general3A_5, %get3A_10 : vector<2000x128xf32>
    %get3A_11 = arith.constant 0 : index
    %get3A_12 = arith.constant 0 : index
    %get3A_13 = arith.constant 0 : index
    %get3A_14 = vector.load %arg4[%get3A_11, %get3A_12, %get3A_13] : memref<1x2000x128xf32, #tpu.memory_space<vmem>>, vector<1x2000x128xf32>
    %get3A_15 = vector.shape_cast %get3A_14 : vector<1x2000x128xf32> to vector<2000x128xf32>
    %add3A_16 = arith.addf %add3A, %get3A_15 : vector<2000x128xf32>
    %swap3A = arith.constant 0 : index
    %swap3A_17 = arith.constant 0 : index
    %swap3A_18 = vector.load %arg5[%swap3A, %swap3A_17] : memref<2000x128xf32, #tpu.memory_space<vmem>>, vector<2000x128xf32>
    tpu.vector_store %arg5[%swap3A, %swap3A_17], %add3A_16 {strides = array<i32>} : memref<2000x128xf32, #tpu.memory_space<vmem>>, vector<2000x128xf32>,
    return
  }
  func.func @transform_0(%arg0: i32) -> (i32, i32) {
    %c0_i32 = arith.constant 0 : i32
    %c0_i32_0 = arith.constant 0 : i32
    return %arg0, %c0_i32 : i32, i32
  }
  func.func @transform_1(%arg0: i32) -> (i32, i32) {
    %c0_i32 = arith.constant 0 : i32
    %c0_i32_0 = arith.constant 0 : i32
    %c0_i32_1 = arith.constant 0 : i32
    return %c0_i32, %c0_i32_0 : i32, i32
  }
  func.func @transform_2(%arg0: i32) -> (i32, i32, i32) {
    %c0_i32 = arith.constant 0 : i32
    %c0_i32_0 = arith.constant 0 : i32
    %c0_i32_1 = arith.constant 0 : i32
    return %c0_i32, %arg0, %c0_i32_0 : i32, i32, i32
  }
  func.func @transform_3(%arg0: i32) -> (i32, i32, i32) {
    %c1_i32 = arith.constant 1 : i32
    %c0_i32 = arith.constant 0 : i32
    %c0_i32_0 = arith.constant 0 : i32
    return %c1_i32, %arg0, %c0_i32 : i32, i32, i32
  }
  func.func @transform_4(%arg0: i32) -> (i32, i32) {
    %c0_i32 = arith.constant 0 : i32
    %c0_i32_0 = arith.constant 0 : i32
    return %arg0, %c0_i32 : i32, i32
  }
}

</mosaic_0001>

<sc_bundles>
// kernel: kernel.5.cloned.1.call-start
scs
__scs_entry_jumppad:
0x0: {  	(pc) =	sbr.rel $0x88, $3  }
0x1: {  	(tag) =	ssettag $0x0;
	lr =	simm.s32 $0x1  }
0x2: {  	[smem:$0x3F9D] =	sst lr;
	_ =	strace $0xD0000000  }
0x3: {  	_ = 	snop  }
0x4: {  	_ = 	snop  }
0x5: {  	_ = 	snop  }
0x6: {  	_ = 	snop  }
0x7: {  	_ = 	snop  }
__scs_overlays_trampoline_lowered:
0x8: {  	[smem:$0x3FAC] =	sst s0  }
0x9: {  	[smem:$0x3FAD] =	sst s1  }
0xa: {  	[smem:$0x3FAE] =	sst s2  }
0xb: {  	[smem:$0x3FAF] =	sst s3  }
0xc: {  	[smem:$0x3FB0] =	sst s4  }
0xd: {  	[smem:$0x3FB1] =	sst s5  }
0xe: {  	[smem:$0x3FB2] =	sst s6  }
0xf: {  	[smem:$0x3FB3] =	sst s7  }
0x10: {  	[smem:$0x3FB4] =	sst s8  }
0x11: {  	[smem:$0x3FB5] =	sst s9;
	s0 =	simm.s32 @!p0 $0x0  }
0x12: {  	s1 =	sld [smem:$0x3F9B];
	s0 =	simm.s32 @p0 $0x1  }
0x13: {  	[smem:$0x3FB6] =	sst s0;
	s0 =	simm.s32 @!p1 $0x0  }
0x14: {  	s2 =	sld [smem:$0x3F9A];
	s0 =	simm.s32 @p1 $0x1  }
0x15: {  	[smem:$0x3FB7] =	sst s0;
	s0 =	simm.s32 @!p2 $0x0  }
0x16: {  	s3 =	sld [smem:$0x3FDB];
	s0 =	simm.s32 @p2 $0x1  }
0x17: {  	s4 =	simm.s32 $0x1BF5;
	[smem:$0x3FB9] =	sst s0  }
0x18: {  	s0 =	sld [smem:$0x3F9C];
	_ =	swait.ge [sflag:s4], $0x0  }
0x19: {  	s7 =	sld [smem:$0x3F9D]  }
0x1a: {  	s8 =	sadd.s32 $0xFFFFE003, lr  }
0x1b: {  	s9 =	sadd.s32 $0xFFFFFEF7, lr;
	s5 =	simm.s32 $0xFFFFFFFF;
	p2 =	slt.u32 s8, $0xFFFFF086  }
0x1c: {  	p1 =	slt.u32 s9, $0xF7A;
	s5 =	simm.s32 @!p2 $0x0  }
0x1d: {  	s5 =	simm.s32 @p1 $0x1;
	p0 =	seq.s32 s7, s2  }
0x1e: {  	s7 =	smul.u32 @!p0 $0xF7A, s2;
	p2 =	seq.s32 @!p0 s5, $0x0  }
0x1f: {  	s9 =	smul.u32 $0xF7A, s1;
	s8 =	simm.s32 @!p0 $0x1BF5;
	p2 =	por !p2, p0  }
0x20: {  	[sflag:s8] =	ssyncset.s32 @!p0 $0xFFFFF086;
	s6 =	sadd.s32 @!p0 s3, s7;
	s7 =	simm.s32 @!p0 $0x108  }
0x21: {  	s3 =	sadd.s32 s3, s9;
	s6 =	sadd.s32 @!p0 $0x88, s6;
	s7 =	simm.s32 @p2 $0x1082  }
0x22: {  	[simem:s7], [sflag:s8] =	dma.local @!p0 [hbm:s6], $0xF7A  }
0x23: {  	s9 =	sor.u32 $0xD0000000, s2;
	s6 =	simm.s32 $0x108;
	_ =	swait.ge @!p0 [sflag:s8], $0x0  }
0x24: {  	s3 =	sadd.s32 $0x88, s3;
	s6 =	simm.s32 @!p1 $0x1082;
	[sflag:s4] =	ssyncset.s32 $0xFFFFF086  }
0x25: {  	[simem:s6], [sflag:s4] =	dma.local [hbm:s3], $0xF7A  }
0x26: {  	[smem:$0x3F9D] =	sst s1;
	(tag) =	ssettag s2;
	_ =	strace s9  }
0x27: {  	s1 =	sld [smem:$0x3FAD]  }
0x28: {  	s2 =	sld [smem:$0x3FAE]  }
0x29: {  	s4 =	sld [smem:$0x3FB0]  }
0x2a: {  	p0 =	seq.s32 s5, $0x0;
	s5 =	sld [smem:$0x3FB1]  }
0x2b: {  	s6 =	sld [smem:$0x3FB2]  }
0x2c: {  	s7 =	sld [smem:$0x3FB3]  }
0x2d: {  	s3 =	simm.s32 $0x108;
	s8 =	sld [smem:$0x3FB4]  }
0x2e: {  	s3 =	simm.s32 @!p0 $0x1082;
	s9 =	sld [smem:$0x3FB5]  }
0x2f: {  	lr =	sadd.s32 s0, s3;
	s0 =	sld [smem:$0x3FAC]  }
0x30: {  	s3 =	sld [smem:$0x3FAF]  }
0x31: {  	[smem:$0x3FB8] =	sst s10  }
0x32: {  	s10 =	sld [smem:$0x3FB6];
	_ =	sdelay $0x3  }
0x33: {  	p0 =	seq.s32 s10, $0x1;
	s10 =	sld [smem:$0x3FB8];
	_ =	sdelay $0x3  }
0x34: {  	[smem:$0x3FB8] =	sst s10  }
0x35: {  	s10 =	sld [smem:$0x3FB7];
	_ =	sdelay $0x3  }
0x36: {  	p1 =	seq.s32 s10, $0x1;
	s10 =	sld [smem:$0x3FB8];
	_ =	sdelay $0x3  }
0x37: {  	[smem:$0x3FB8] =	sst s10  }
0x38: {  	s10 =	sld [smem:$0x3FB9]  }
0x39: {  	_ = 	snop;
	(pc) =	sbr.ind lr, $3  }
0x3a: {  	_ = 	snop  }
0x3b: {  	_ = 	snop  }
0x3c: {  	p2 =	seq.s32 s10, $0x1;
	s10 =	sld [smem:$0x3FB8]  }
0x3d: {  	_ =	shalt  }
0x3e: {  	_ =	shalt  }
0x3f: {  	_ =	shalt  }
0x40: {  	_ =	shalt  }
0x41: {  	_ =	shalt  }
0x42: {  	_ =	shalt  }
0x43: {  	_ =	shalt  }
0x44: {  	_ =	shalt  }
0x45: {  	_ =	shalt  }
0x46: {  	_ =	shalt  }
0x47: {  	_ =	shalt  }
0x48: {  	_ =	shalt  }
0x49: {  	_ =	shalt  }
0x4a: {  	_ =	shalt  }
0x4b: {  	_ =	shalt  }
0x4c: {  	_ =	shalt  }
0x4d: {  	_ =	shalt  }
0x4e: {  	_ =	shalt  }
0x4f: {  	_ =	shalt  }
0x50: {  	_ =	shalt  }
0x51: {  	_ =	shalt  }
0x52: {  	_ =	shalt  }
0x53: {  	_ =	shalt  }
0x54: {  	_ =	shalt  }
0x55: {  	_ =	shalt  }
0x56: {  	_ =	shalt  }
0x57: {  	_ =	shalt  }
0x58: {  	_ =	shalt  }
0x59: {  	_ =	shalt  }
0x5a: {  	_ =	shalt  }
0x5b: {  	_ =	shalt  }
0x5c: {  	_ =	shalt  }
0x5d: {  	_ =	shalt  }
0x5e: {  	_ =	shalt  }
0x5f: {  	_ =	shalt  }
0x60: {  	_ =	shalt  }
0x61: {  	_ =	shalt  }
0x62: {  	_ =	shalt  }
0x63: {  	_ =	shalt  }
0x64: {  	_ =	shalt  }
0x65: {  	_ =	shalt  }
0x66: {  	_ =	shalt  }
0x67: {  	_ =	shalt  }
0x68: {  	_ =	shalt  }
0x69: {  	_ =	shalt  }
0x6a: {  	_ =	shalt  }
0x6b: {  	_ =	shalt  }
0x6c: {  	_ =	shalt  }
0x6d: {  	_ =	shalt  }
0x6e: {  	_ =	shalt  }
0x6f: {  	_ =	shalt  }
0x70: {  	_ =	shalt  }
0x71: {  	_ =	shalt  }
0x72: {  	_ =	shalt  }
0x73: {  	_ =	shalt  }
0x74: {  	_ =	shalt  }
0x75: {  	_ =	shalt  }
0x76: {  	_ =	shalt  }
0x77: {  	_ =	shalt  }
0x78: {  	_ =	shalt  }
0x79: {  	_ =	shalt  }
0x7a: {  	_ =	shalt  }
0x7b: {  	_ =	shalt  }
0x7c: {  	_ =	shalt  }
0x7d: {  	_ =	shalt  }
0x7e: {  	_ =	shalt  }
0x7f: {  	_ =	shalt  }
0x80: {  	_ =	shalt  }
0x81: {  	_ =	shalt  }
0x82: {  	_ =	shalt  }
0x83: {  	_ =	shalt  }
0x84: {  	_ =	shalt  }
0x85: {  	_ =	shalt  }
0x86: {  	_ =	shalt  }
0x87: {  	_ =	shalt  }
.Lfunc_end0:
.L_simem_size_0:
called_computation_lowered:
.L_overlay_start_0:
0x88: {  	s2 =	sld [smem:$0x3FD9]  }
0x89: {  	s3 =	sld [smem:$0x3FFE];
	_ =	sdelay $0x1  }
0x8a: {  	s1 =	srdreg.scid  }
0x8b: {  	s0 =	sand.u32 $0x1, s1  }
0x8c: {  	s17 =	sshll.u32 s0, $0xA;
	s2 =	sadd.s32 s3, s2  }
0x8d: {  	s2 =	sadd.s32 s2, s17  }
0x8e: {  	[smem:$0x3FC4] =	sst s2  }
0x8f: {  	_ = 	snop  }
0x90: {  	s2 =	sld [smem:$0x3FD0];
	(tm) =	ssettm $0x1  }
0x91: {  	s18 =	sld [smem:$0x3FFB];
	_ =	sdelay $0x3  }
0x92: {  	_ =	strace s18  }
0x93: {  	s3 =	sld [smem:$0x3FFC];
	_ =	sdelay $0x3  }
0x94: {  	_ =	strace s3  }
0x95: {  	s3 =	sld [smem:$0x3FFD];
	_ =	sdelay $0x3  }
0x96: {  	_ =	strace s3  }
0x97: {  	_ =	strace $0x8FFFFFFF  }
0x98: {  	s19 =	sld [smem:$0x3FDB];
	_ =	sdelay $0x1  }
0x99: {  	s4 =	simm.s32 $_scs_section_size  }
0x9a: {  	s5 =	simm.s32 $_size__tile_overlayer_lowered;
	s6 =	simm.s32 $_tile_overlayer_lowered  }
0x9b: {  	s22 =	simm.s32 $0x1BFF;
	s21 =	sshll.u32 s6, $0x1;
	s3 =	sadd.s32 s4, s19  }
0x9c: {  	s7 =	simm.s32 $0x0;
	s20 =	sshll.u32 s5, $0x1;
	s5 =	sadd.s32 s21, s3  }
0x9d: {  	[timem:s7], [sflag:s22] =	dma.local [hbm:s5], s20  }
0x9e: {  	_ =	swait.ge [sflag:s22], s20  }
0x9f: {  	s4 =	ssub.s32 $0x0, s20;
	[sflag:s22] =	ssyncset.done $0x0  }
0xa0: {  	[sflag:s22] =	ssyncadd.s32 s4;
	_ =	sdelay $0x1  }
0xa1: {  	s23 =	simm.s32 $0x1B8B  }
0xa2: {  	_ =	swait.ge [sflag:s23], $0x1  }
0xa3: {  	[sflag:s23] =	ssyncset.done $0x0  }
0xa4: {  	s25 =	simm.s32 $0x1B8E;
	s24 =	sld [smem:$0x3FFE];
	[sflag:s23] =	ssyncadd.s32 $0xFFFFFFFF  }
0xa5: {  	s26 =	simm.s32 $execute0_lowered;
	[smem:$0x3FD2] =	sst s25  }
0xa6: {  	s5 =	sshll.u32 s26, $0x1;
	_ =	strace $0x80000046;
	[dreg:$0x1] =	wrdreg $0xFFFFFFFF  }
0xa7: {  	s28 =	simm.s32 $_size_execute0_lowered;
	s3 =	sadd.s32 s3, s5;
	[dreg:$0x0] =	wrdreg $0x0  }
0xa8: {  	s5 =	sshll.u32 s28, $0x1;
	[dreg:$0x2] =	wrdreg s3  }
0xa9: {  	[dreg:$0x3] =	wrdreg s5  }
0xaa: {  	[dreg:$0x4] =	wrdreg $0xC0  }
0xab: {  	_ =	task [dreg:s7], $0x5FFFF  }
0xac: {  	[dreg:$0x1] =	wrdreg $0xFFFFFFFF  }
0xad: {  	[dreg:$0x0] =	wrdreg $0x60  }
0xae: {  	[dreg:$0x2] =	wrdreg s24  }
0xaf: {  	[dreg:$0x3] =	wrdreg s2  }
0xb0: {  	[dreg:$0x4] =	wrdreg $0xB6000  }
0xb1: {  	[dreg:$0x5] =	wrdreg $0x9  }
0xb2: {  	_ =	task.clear_ibuf [dreg:s7], $0x6FFFF;
	_ =	strace $0x90000046  }
0xb3: {  	s29 =	simm.s32 $0x9;
	_ =	strace $0x80000048  }
0xb4: {  	_ =	swait.ge [sflag:s29], $0x1  }
0xb5: {  	[sflag:s29] =	ssyncadd.s32 $0xFFFFFFFF  }
0xb6: {  	_ =	strace $0x90000048  }
0xb7: {  	_ =	sfence  }
0xb8: {  	s30 =	sld [smem:$0x0];
	_ =	sdelay $0x2  }
0xb9: {  	s31 =	sshll.u32 s1, $0xD;
	s1 =	sshrl.u32 s1, $0x2  }
0xba: {  	s3 =	sand.u32 $0x4000, s31;
	s1 =	sadd.s32 s1, s30  }
0xbb: {  	s0 =	sor.u32 s3, s0;
	s1 =	sshll.u32 s1, $0x11  }
0xbc: {  	s0 =	sor.u32 s1, s0  }
0xbd: {  	s0 =	sadd.s32 $0x8F2B, s0  }
0xbe: {  	[sflag:s0] =	ssyncadd.remote.s32 $0x1  }
0xbf: {  	_ =	sfence.sel $0xFFFF  }
0xc0: {  	[dreg:$0x0] =	wrdreg $0xFFFFFFFF;
	(pc) =	sbr.abs _section_cstart, $3  }
0xc1: {  	[dreg:$0x1] =	wrdreg $0xFFFFFFFF  }
0xc2: {  	_ =	task.clear_ibuf [dreg:s7], $0x2FFFF;
	_ =	strace $0x9FFFFFFF  }
0xc3: {  	(tm) =	ssettm $0x7FFFFFFF  }
tec
execute0_lowered:
.L_overlay_start_1:
0x0: {  	(tag) =	ssettag $0x1  }
0x1: {  	s5 =	rddreg [dreg:$0x0]  }
0x2: {  	s8 =	rddreg [dreg:$0x1]  }
0x3: {  	s2 =	rddreg [dreg:$0x2]  }
0x4: {  	s0 =	rddreg [dreg:$0x3]  }
0x5: {  	s1 =	stileid.u32;
	s4 =	srdreg.scid;
	s3 =	simm.s32 $0x0  }
0x6: {  	s15 =	simm.s32 $0x3600;
	s16 =	simm.s32 $0x3500;
	s17 =	simm.s32 $0x7600  }
0x7: {  	s18 =	simm.s32 $0x1;
	s19 =	simm.s32 $0x3480;
	s20 =	simm.s32 $0x3  }
0x8: {  	s21 =	simm.s32 $0x2;
	s22 =	simm.s32 $0x3580;
	s23 =	simm.s32 $0x0  }
0x9: {  	s6 =	smul.u32 $0x14000, s1;
	s7 =	sand.u32 $0x1, s4;
	[smem:$0x7FF] =	sst s3  }
0xa: {  	s4 =	sadd.s32 $0xE00, s5;
	s11 =	smul.u32 $0x50000, s1;
	s28 =	sshll.u32 s1, $0x1  }
0xb: {  	s31 =	sshll.u32 s1, $0x6;
	s9 =	smul.u32 $0x140000, s7;
	_ =	strace $0x80000047  }
0xc: {  	s25 =	ssub.s32 $0x2, s7;
	p0 =	seq.s32 s7, $0x0;
	s10 =	sshrl.u32 s6, $0x3  }
0xd: {  	s26 =	sshrl.u32 s25, $0x1;
	s29 =	sshrl.u32 s11, $0x2;
	s10 =	sadd.s32 s10, s5  }
0xe: {  	s6 =	sadd.s32 s6, s9;
	s13 =	ssub.s32 s25, s26;
	s14 =	sadd.s32 s29, s2  }
0xf: {  	s6 =	sshrl.u32 s6, $0x3;
	s11 =	smax.u32 s13, $0x1;
	s13 =	simm.s32 $0x80  }
0x10: {  	s12 =	sadd.s32 s6, s5;
	s6 =	sor.u32 s7, s28;
	s5 =	sadd.s32 $0x76200, s10  }
0x11: {  	s7 =	sor.u32 $0x1C03, s31;
	s30 =	smul.u32 $0x680, s6;
	s6 =	simm.s32 $0x68  }
0x12: {  	s10 =	sadd.s32 $0x9E200, s12;
	s12 =	sshrl.u32 s14, $0x3;
	s6 =	simm.s32 @!p0 $0x2C  }
0x13: {  	s14 =	simm.s32 $0x3400;
	s8 =	sadd.s32 s8, s30;
	s9 =	sshrl.u32 s6, $0x1  }
.LBB2_1:
0x14: {  	[spmem:s12], [sflag:s7] =	dma.local [hbm:s5], $0x2800  }
0x15: {  	_ =	swait.ge [sflag:s20], $0x2800  }
0x16: {  	[sflag:s20] =	ssyncset.done $0x0  }
0x17: {  	[sflag:s20] =	ssyncadd.s32 $0xFFFFD800  }
0x18: {  	[tilespmem:s3], [sflag:$0x3] =	stream.linear.gather [hbm4b:s8+s3], $0x3400, $0x38;
	[tilespmem:$0x1F600] =	vst v63  }
0x19: {  	_ =	swait.ge [sflag:s20], $0x3400  }
0x1a: {  	[sflag:s20] =	ssyncset.done $0x0  }
0x1b: {  	[sflag:s20] =	ssyncadd.s32 $0xFFFFCC00  }
0x1c: {  	[bflag:$0x0] =	sbarrier.arrive $0xFFFF  }
0x1d: {  	v0 =	vld [tilespmem:$0x0];
	_ =	sdelay $0x1  }
0x1e: {  	v1 =	vld [tilespmem:$0x10];
	_ =	sdelay $0x1  }
0x1f: {  	v2 =	vld [tilespmem:$0x20]  }
0x20: {  	v3 =	vand.u32 $0x7FFF, v0  }
0x21: {  	v22 =	vld [tilespmem:$0x30];
	v0 =	vshra.s32 v0, $0xF;
	[tilespmem:$0x3400] =	vst v3  }
0x22: {  	v23 =	vand.u32 $0x7FFF, v1;
	[tilespmem:$0x3480] =	vst v0  }
0x23: {  	v25 =	vld [tilespmem:$0x40];
	v24 =	vshra.s32 v1, $0xF;
	[tilespmem:$0x3410] =	vst v23  }
0x24: {  	v26 =	vand.u32 $0x7FFF, v2;
	[tilespmem:$0x3490] =	vst v24  }
0x25: {  	v28 =	vld [tilespmem:$0x50];
	v27 =	vshra.s32 v2, $0xF;
	[tilespmem:$0x3420] =	vst v26  }
0x26: {  	v29 =	vand.u32 $0x7FFF, v22;
	[tilespmem:$0x34A0] =	vst v27  }
0x27: {  	v31 =	vld [tilespmem:$0x60];
	v30 =	vshra.s32 v22, $0xF;
	[tilespmem:$0x3430] =	vst v29  }
0x28: {  	v32 =	vand.u32 $0x7FFF, v25;
	[tilespmem:$0x34B0] =	vst v30  }
0x29: {  	v34 =	vld [tilespmem:$0x70];
	v33 =	vshra.s32 v25, $0xF;
	[tilespmem:$0x3440] =	vst v32  }
0x2a: {  	v35 =	vand.u32 $0x7FFF, v28;
	[tilespmem:$0x34C0] =	vst v33  }
0x2b: {  	v36 =	vshra.s32 v28, $0xF;
	[tilespmem:$0x3450] =	vst v35  }
0x2c: {  	v37 =	vand.u32 $0x7FFF, v31;
	[tilespmem:$0x34D0] =	vst v36  }
0x2d: {  	v38 =	vshra.s32 v31, $0xF;
	[tilespmem:$0x3460] =	vst v37  }
0x2e: {  	v39 =	vand.u32 $0x7FFF, v34;
	[tilespmem:$0x34E0] =	vst v38  }
0x2f: {  	v40 =	vshra.s32 v34, $0xF;
	[tilespmem:$0x3470] =	vst v39  }
0x30: {  	[tilespmem:$0x34F0] =	vst v40  }
0x31: {  	[tilespmem:s15], [sflag:$0x1] =	stream.indirect.gather [hbm4b:s4+s13], $0x80, s14, s13, $0xb8;
	[tilespmem:$0x1F600] =	vst v63  }
0x32: {  	v41 =	vld [tilespmem:$0x80];
	_ =	sdelay $0x1  }
0x33: {  	v42 =	vld [tilespmem:$0x90];
	_ =	sdelay $0x1  }
0x34: {  	v43 =	vld [tilespmem:$0xA0]  }
0x35: {  	v44 =	vand.u32 $0x7FFF, v41  }
0x36: {  	v45 =	vld [tilespmem:$0xB0];
	v0 =	vshra.s32 v41, $0xF;
	[tilespmem:$0x3500] =	vst v44  }
0x37: {  	v46 =	vand.u32 $0x7FFF, v42;
	[tilespmem:$0x3580] =	vst v0  }
0x38: {  	v48 =	vld [tilespmem:$0xC0];
	v47 =	vshra.s32 v42, $0xF;
	[tilespmem:$0x3510] =	vst v46  }
0x39: {  	v49 =	vand.u32 $0x7FFF, v43;
	[tilespmem:$0x3590] =	vst v47  }
0x3a: {  	v51 =	vld [tilespmem:$0xD0];
	v50 =	vshra.s32 v43, $0xF;
	[tilespmem:$0x3520] =	vst v49  }
0x3b: {  	v52 =	vand.u32 $0x7FFF, v45;
	[tilespmem:$0x35A0] =	vst v50  }
0x3c: {  	v54 =	vld [tilespmem:$0xE0];
	v53 =	vshra.s32 v45, $0xF;
	[tilespmem:$0x3530] =	vst v52  }
0x3d: {  	v55 =	vand.u32 $0x7FFF, v48;
	[tilespmem:$0x35B0] =	vst v53  }
0x3e: {  	v57 =	vld [tilespmem:$0xF0];
	v56 =	vshra.s32 v48, $0xF;
	[tilespmem:$0x3540] =	vst v55  }
0x3f: {  	v58 =	vand.u32 $0x7FFF, v51;
	[tilespmem:$0x35C0] =	vst v56  }
0x40: {  	v59 =	vshra.s32 v51, $0xF;
	[tilespmem:$0x3550] =	vst v58  }
0x41: {  	v60 =	vand.u32 $0x7FFF, v54;
	[tilespmem:$0x35D0] =	vst v59  }
0x42: {  	v61 =	vshra.s32 v54, $0xF;
	[tilespmem:$0x3560] =	vst v60  }
0x43: {  	v62 =	vand.u32 $0x7FFF, v57;
	[tilespmem:$0x35E0] =	vst v61  }
0x44: {  	v63 =	vshra.s32 v57, $0xF;
	[tilespmem:$0x3570] =	vst v62  }
0x45: {  	[tilespmem:$0x35F0] =	vst v63  }
0x46: {  	[tilespmem:s17], [sflag:$0x2] =	stream.indirect.gather [hbm4b:s4+s13], $0x80, s16, s13, $0xb8;
	[tilespmem:$0x1F600] =	vst v63  }
0x47: {  	_ =	swait.ge [sflag:s18], $0x4000  }
0x48: {  	[sflag:s18] =	ssyncset.done $0x0  }
0x49: {  	[sflag:s18] =	ssyncadd.s32 $0xFFFFC000  }
0x4a: {  	[spmem:s2] =	stream.indirect.scatter.add.f32 [tilespmem:s15], [sflag:$0x3], $0x80, s19, s13, $0xb8;
	[tilespmem:$0x1F600] =	vst v63  }
0x4b: {  	_ =	swait.ge [sflag:s20], $0x4000  }
0x4c: {  	[sflag:s20] =	ssyncset.done $0x0  }
0x4d: {  	s24 =	simm.s32 $0x1F0;
	p0 =	sle.u32 s6, $0x2;
	[sflag:s20] =	ssyncadd.s32 $0xFFFFC000  }
0x4e: {  	v0 =	vld @!p0 [tilespmem:s24+$0xFFFFFF10];
	_ =	sdelay $0x4  }
0x4f: {  	v1 =	vand.u32 @!p0 $0x7FFF, v0  }
0x50: {  	v0 =	vshra.s32 @!p0 v0, $0xF;
	[tilespmem:$0x3400] =	vst @!p0 v1  }
0x51: {  	[tilespmem:$0x3480] =	vst @!p0 v0  }
0x52: {  	v0 =	vld @!p0 [tilespmem:s24+$0xFFFFFF20];
	_ =	sdelay $0x4  }
0x53: {  	v1 =	vand.u32 @!p0 $0x7FFF, v0  }
0x54: {  	v0 =	vshra.s32 @!p0 v0, $0xF;
	[tilespmem:$0x3410] =	vst @!p0 v1  }
0x55: {  	[tilespmem:$0x3490] =	vst @!p0 v0  }
0x56: {  	v0 =	vld @!p0 [tilespmem:s24+$0xFFFFFF30];
	_ =	sdelay $0x4  }
0x57: {  	v1 =	vand.u32 @!p0 $0x7FFF, v0  }
0x58: {  	v0 =	vshra.s32 @!p0 v0, $0xF;
	[tilespmem:$0x3420] =	vst @!p0 v1  }
0x59: {  	[tilespmem:$0x34A0] =	vst @!p0 v0  }
0x5a: {  	v0 =	vld @!p0 [tilespmem:s24+$0xFFFFFF40];
	_ =	sdelay $0x4  }
0x5b: {  	v1 =	vand.u32 @!p0 $0x7FFF, v0  }
0x5c: {  	v0 =	vshra.s32 @!p0 v0, $0xF;
	[tilespmem:$0x3430] =	vst @!p0 v1  }
0x5d: {  	[tilespmem:$0x34B0] =	vst @!p0 v0  }
0x5e: {  	v0 =	vld @!p0 [tilespmem:s24+$0xFFFFFF50];
	_ =	sdelay $0x4  }
0x5f: {  	v1 =	vand.u32 @!p0 $0x7FFF, v0  }
0x60: {  	v0 =	vshra.s32 @!p0 v0, $0xF;
	[tilespmem:$0x3440] =	vst @!p0 v1  }
0x61: {  	[tilespmem:$0x34C0] =	vst @!p0 v0  }
0x62: {  	v0 =	vld @!p0 [tilespmem:s24+$0xFFFFFF60];
	_ =	sdelay $0x4  }
0x63: {  	v1 =	vand.u32 @!p0 $0x7FFF, v0  }
0x64: {  	v0 =	vshra.s32 @!p0 v0, $0xF;
	[tilespmem:$0x3450] =	vst @!p0 v1  }
0x65: {  	[tilespmem:$0x34D0] =	vst @!p0 v0  }
0x66: {  	v0 =	vld @!p0 [tilespmem:s24+$0xFFFFFF70];
	_ =	sdelay $0x4  }
0x67: {  	v1 =	vand.u32 @!p0 $0x7FFF, v0  }
0x68: {  	v0 =	vshra.s32 @!p0 v0, $0xF;
	[tilespmem:$0x3460] =	vst @!p0 v1  }
0x69: {  	[tilespmem:$0x34E0] =	vst @!p0 v0  }
0x6a: {  	v0 =	vld @!p0 [tilespmem:s24+$0xFFFFFF80];
	_ =	sdelay $0x4  }
0x6b: {  	v1 =	vand.u32 @!p0 $0x7FFF, v0  }
0x6c: {  	v0 =	vshra.s32 @!p0 v0, $0xF;
	[tilespmem:$0x3470] =	vst @!p0 v1  }
0x6d: {  	s25 =	simm.s32 @!p0 $0x80;
	s26 =	simm.s32 @!p0 $0x3400;
	s28 =	simm.s32 @!p0 $0x3600;
	[tilespmem:$0x34F0] =	vst @!p0 v0  }
0x6e: {  	[tilespmem:s28], [sflag:$0x1] =	stream.indirect.gather @!p0 [hbm4b:s4+s25], $0x80, s26, s25, $0xb8;
	[tilespmem:$0x1F600] =	vst v63  }
0x6f: {  	_ =	swait.ge [sflag:s21], $0x4000  }
0x70: {  	[sflag:s21] =	ssyncset.done $0x0  }
0x71: {  	[sflag:s21] =	ssyncadd.s32 $0xFFFFC000  }
0x72: {  	[spmem:s2] =	stream.indirect.scatter.add.f32 [tilespmem:s17], [sflag:$0x3], $0x80, s22, s13, $0xb8;
	[tilespmem:$0x1F600] =	vst v63  }
0x73: {  	_ =	swait.ge [sflag:s20], $0x4000  }
0x74: {  	[sflag:s20] =	ssyncset.done $0x0  }
0x75: {  	p1 =	sle.u32 s6, $0x3;
	[sflag:s20] =	ssyncadd.s32 $0xFFFFC000  }
0x76: {  	v0 =	vld @!p1 [tilespmem:s24+$0xFFFFFF90];
	_ =	sdelay $0x4  }
0x77: {  	v1 =	vand.u32 @!p1 $0x7FFF, v0  }
0x78: {  	v0 =	vshra.s32 @!p1 v0, $0xF;
	[tilespmem:$0x3500] =	vst @!p1 v1  }
0x79: {  	[tilespmem:$0x3580] =	vst @!p1 v0  }
0x7a: {  	v0 =	vld @!p1 [tilespmem:s24+$0xFFFFFFA0];
	_ =	sdelay $0x4  }
0x7b: {  	v1 =	vand.u32 @!p1 $0x7FFF, v0  }
0x7c: {  	v0 =	vshra.s32 @!p1 v0, $0xF;
	[tilespmem:$0x3510] =	vst @!p1 v1  }
0x7d: {  	[tilespmem:$0x3590] =	vst @!p1 v0  }
0x7e: {  	v0 =	vld @!p1 [tilespmem:s24+$0xFFFFFFB0];
	_ =	sdelay $0x4  }
0x7f: {  	v1 =	vand.u32 @!p1 $0x7FFF, v0  }
0x80: {  	v0 =	vshra.s32 @!p1 v0, $0xF;
	[tilespmem:$0x3520] =	vst @!p1 v1  }
0x81: {  	[tilespmem:$0x35A0] =	vst @!p1 v0  }
0x82: {  	v0 =	vld @!p1 [tilespmem:s24+$0xFFFFFFC0];
	_ =	sdelay $0x4  }
0x83: {  	v1 =	vand.u32 @!p1 $0x7FFF, v0  }
0x84: {  	v0 =	vshra.s32 @!p1 v0, $0xF;
	[tilespmem:$0x3530] =	vst @!p1 v1  }
0x85: {  	[tilespmem:$0x35B0] =	vst @!p1 v0  }
0x86: {  	v0 =	vld @!p1 [tilespmem:s24+$0xFFFFFFD0];
	_ =	sdelay $0x4  }
0x87: {  	v1 =	vand.u32 @!p1 $0x7FFF, v0  }
0x88: {  	v0 =	vshra.s32 @!p1 v0, $0xF;
	[tilespmem:$0x3540] =	vst @!p1 v1  }
0x89: {  	[tilespmem:$0x35C0] =	vst @!p1 v0  }
0x8a: {  	v0 =	vld @!p1 [tilespmem:s24+$0xFFFFFFE0]  }
0x8b: {  	s25 =	sadd.s32 $0xFFFFFFFF, s9  }
0x8c: {  	p0 =	sne.s32 s25, $0x0  }
.Ltmp0:
0x8d: {  	_ = 	snop;
	(pc) =	sbr.rel @!p0 .LBB2_3-.Ltmp0, $4  }
0x8e: {  	_ = 	snop  }
0x8f: {  	v1 =	vand.u32 @!p1 $0x7FFF, v0  }
0x90: {  	s29 =	simm.s32 @!p1 $0x80;
	s30 =	simm.s32 @!p1 $0x3500;
	v0 =	vshra.s32 @!p1 v0, $0xF;
	[tilespmem:$0x3550] =	vst @!p1 v1  }
0x91: {  	s31 =	simm.s32 @!p1 $0x7600;
	s26 =	simm.s32 $0x3;
	s28 =	simm.s32 $0x1F0;
	[tilespmem:$0x35D0] =	vst @!p1 v0  }
.LBB2_2:
0x92: {  	s25 =	sadd.s32 $0xFFFFFFFF, s25;
	v0 =	vld @!p1 [tilespmem:s24+$0xFFFFFFF0];
	s26 =	sadd.s32 $0x2, s26;
	s28 =	sadd.s32 $0x100, s28  }
0x93: {  	p0 =	sne.s32 s25, $0x0;
	_ =	sdelay $0x3  }
0x94: {  	v1 =	vand.u32 @!p1 $0x7FFF, v0;
	v0 =	vshra.s32 @!p1 v0, $0xF  }
0x95: {  	[tilespmem:$0x3560] =	vst @!p1 v1  }
0x96: {  	[tilespmem:$0x35E0] =	vst @!p1 v0  }
0x97: {  	v0 =	vld @!p1 [tilespmem:s24+$0x0];
	s24 =	smov.u32 s28;
	_ =	sdelay $0x4  }
0x98: {  	v1 =	vand.u32 @!p1 $0x7FFF, v0;
	v0 =	vshra.s32 @!p1 v0, $0xF  }
0x99: {  	[tilespmem:$0x3570] =	vst @!p1 v1  }
0x9a: {  	[tilespmem:$0x35F0] =	vst @!p1 v0  }
0x9b: {  	[tilespmem:s31], [sflag:$0x2] =	stream.indirect.gather @!p1 [hbm4b:s4+s29], $0x80, s30, s29, $0xb8;
	[tilespmem:$0x1F600] =	vst v63  }
0x9c: {  	_ =	swait.ge [sflag:s18], $0x4000  }
0x9d: {  	[sflag:s18] =	ssyncset.done $0x0  }
0x9e: {  	[sflag:s18] =	ssyncadd.s32 $0xFFFFC000  }
0x9f: {  	[spmem:s2] =	stream.indirect.scatter.add.f32 [tilespmem:s15], [sflag:$0x3], $0x80, s19, s13, $0xb8;
	[tilespmem:$0x1F600] =	vst v63  }
0xa0: {  	_ =	swait.ge [sflag:s20], $0x4000  }
0xa1: {  	s29 =	sadd.s32 $0xFFFFFFFF, s26;
	[sflag:s20] =	ssyncset.done $0x0  }
0xa2: {  	p1 =	sge.u32 s29, s6;
	[sflag:s20] =	ssyncadd.s32 $0xFFFFC000  }
0xa3: {  	v0 =	vld @!p1 [tilespmem:s28+$0xFFFFFF10];
	_ =	sdelay $0x4  }
0xa4: {  	v1 =	vand.u32 @!p1 $0x7FFF, v0;
	v0 =	vshra.s32 @!p1 v0, $0xF  }
0xa5: {  	[tilespmem:$0x3400] =	vst @!p1 v1  }
0xa6: {  	[tilespmem:$0x3480] =	vst @!p1 v0  }
0xa7: {  	v0 =	vld @!p1 [tilespmem:s28+$0xFFFFFF20];
	_ =	sdelay $0x4  }
0xa8: {  	v1 =	vand.u32 @!p1 $0x7FFF, v0;
	v0 =	vshra.s32 @!p1 v0, $0xF  }
0xa9: {  	[tilespmem:$0x3410] =	vst @!p1 v1  }
0xaa: {  	[tilespmem:$0x3490] =	vst @!p1 v0  }
0xab: {  	v0 =	vld @!p1 [tilespmem:s28+$0xFFFFFF30];
	_ =	sdelay $0x4  }
0xac: {  	v1 =	vand.u32 @!p1 $0x7FFF, v0;
	v0 =	vshra.s32 @!p1 v0, $0xF  }
0xad: {  	[tilespmem:$0x3420] =	vst @!p1 v1  }
0xae: {  	[tilespmem:$0x34A0] =	vst @!p1 v0  }
0xaf: {  	v0 =	vld @!p1 [tilespmem:s28+$0xFFFFFF40];
	_ =	sdelay $0x4  }
0xb0: {  	v1 =	vand.u32 @!p1 $0x7FFF, v0;
	v0 =	vshra.s32 @!p1 v0, $0xF  }
0xb1: {  	[tilespmem:$0x3430] =	vst @!p1 v1  }
0xb2: {  	[tilespmem:$0x34B0] =	vst @!p1 v0  }
0xb3: {  	v0 =	vld @!p1 [tilespmem:s28+$0xFFFFFF50];
	_ =	sdelay $0x4  }
0xb4: {  	v1 =	vand.u32 @!p1 $0x7FFF, v0;
	v0 =	vshra.s32 @!p1 v0, $0xF  }
0xb5: {  	[tilespmem:$0x3440] =	vst @!p1 v1  }
0xb6: {  	[tilespmem:$0x34C0] =	vst @!p1 v0  }
0xb7: {  	v0 =	vld @!p1 [tilespmem:s28+$0xFFFFFF60];
	_ =	sdelay $0x4  }
0xb8: {  	v1 =	vand.u32 @!p1 $0x7FFF, v0;
	v0 =	vshra.s32 @!p1 v0, $0xF  }
0xb9: {  	[tilespmem:$0x3450] =	vst @!p1 v1  }
0xba: {  	[tilespmem:$0x34D0] =	vst @!p1 v0  }
0xbb: {  	v0 =	vld @!p1 [tilespmem:s28+$0xFFFFFF70];
	_ =	sdelay $0x4  }
0xbc: {  	v1 =	vand.u32 @!p1 $0x7FFF, v0;
	v0 =	vshra.s32 @!p1 v0, $0xF  }
0xbd: {  	[tilespmem:$0x3460] =	vst @!p1 v1  }
0xbe: {  	s29 =	simm.s32 @!p1 $0x80;
	s30 =	simm.s32 @!p1 $0x3400;
	s31 =	simm.s32 @!p1 $0x3600;
	[tilespmem:$0x34E0] =	vst @!p1 v0  }
0xbf: {  	v0 =	vld @!p1 [tilespmem:s28+$0xFFFFFF80];
	_ =	sdelay $0x4  }
0xc0: {  	v1 =	vand.u32 @!p1 $0x7FFF, v0;
	v0 =	vshra.s32 @!p1 v0, $0xF  }
0xc1: {  	[tilespmem:$0x3470] =	vst @!p1 v1  }
0xc2: {  	[tilespmem:$0x34F0] =	vst @!p1 v0  }
0xc3: {  	[tilespmem:s31], [sflag:$0x1] =	stream.indirect.gather @!p1 [hbm4b:s4+s29], $0x80, s30, s29, $0xb8;
	[tilespmem:$0x1F600] =	vst v63  }
0xc4: {  	_ =	swait.ge [sflag:s21], $0x4000  }
0xc5: {  	[sflag:s21] =	ssyncset.done $0x0  }
0xc6: {  	[sflag:s21] =	ssyncadd.s32 $0xFFFFC000  }
0xc7: {  	[spmem:s2] =	stream.indirect.scatter.add.f32 [tilespmem:s17], [sflag:$0x3], $0x80, s22, s13, $0xb8;
	[tilespmem:$0x1F600] =	vst v63  }
0xc8: {  	_ =	swait.ge [sflag:s20], $0x4000  }
0xc9: {  	[sflag:s20] =	ssyncset.done $0x0  }
0xca: {  	p1 =	sge.u32 s26, s6;
	[sflag:s20] =	ssyncadd.s32 $0xFFFFC000  }
0xcb: {  	v0 =	vld @!p1 [tilespmem:s28+$0xFFFFFF90];
	_ =	sdelay $0x4  }
0xcc: {  	v1 =	vand.u32 @!p1 $0x7FFF, v0;
	v0 =	vshra.s32 @!p1 v0, $0xF  }
0xcd: {  	[tilespmem:$0x3500] =	vst @!p1 v1  }
0xce: {  	[tilespmem:$0x3580] =	vst @!p1 v0  }
0xcf: {  	v0 =	vld @!p1 [tilespmem:s28+$0xFFFFFFA0];
	_ =	sdelay $0x4  }
0xd0: {  	v1 =	vand.u32 @!p1 $0x7FFF, v0;
	v0 =	vshra.s32 @!p1 v0, $0xF  }
0xd1: {  	[tilespmem:$0x3510] =	vst @!p1 v1  }
0xd2: {  	[tilespmem:$0x3590] =	vst @!p1 v0  }
0xd3: {  	v0 =	vld @!p1 [tilespmem:s28+$0xFFFFFFB0];
	_ =	sdelay $0x4  }
0xd4: {  	v1 =	vand.u32 @!p1 $0x7FFF, v0;
	v0 =	vshra.s32 @!p1 v0, $0xF  }
0xd5: {  	[tilespmem:$0x3520] =	vst @!p1 v1  }
0xd6: {  	[tilespmem:$0x35A0] =	vst @!p1 v0  }
0xd7: {  	v0 =	vld @!p1 [tilespmem:s28+$0xFFFFFFC0];
	_ =	sdelay $0x4  }
0xd8: {  	v1 =	vand.u32 @!p1 $0x7FFF, v0;
	v0 =	vshra.s32 @!p1 v0, $0xF  }
0xd9: {  	[tilespmem:$0x3530] =	vst @!p1 v1  }
0xda: {  	[tilespmem:$0x35B0] =	vst @!p1 v0  }
0xdb: {  	v0 =	vld @!p1 [tilespmem:s28+$0xFFFFFFD0];
	_ =	sdelay $0x4  }
0xdc: {  	v1 =	vand.u32 @!p1 $0x7FFF, v0;
	v0 =	vshra.s32 @!p1 v0, $0xF  }
0xdd: {  	[tilespmem:$0x3540] =	vst @!p1 v1  }
0xde: {  	[tilespmem:$0x35C0] =	vst @!p1 v0  }
0xdf: {  	v0 =	vld @!p1 [tilespmem:s28+$0xFFFFFFE0];
	_ =	sdelay $0x2  }
.Ltmp1:
0xe0: {  	(pc) =	sbr.rel @p0 .LBB2_2-.Ltmp1, $4  }
0xe1: {  	_ = 	snop  }
0xe2: {  	v1 =	vand.u32 @!p1 $0x7FFF, v0;
	v0 =	vshra.s32 @!p1 v0, $0xF  }
0xe3: {  	[tilespmem:$0x3550] =	vst @!p1 v1  }
0xe4: {  	s29 =	simm.s32 @!p1 $0x80;
	s30 =	simm.s32 @!p1 $0x3500;
	s31 =	simm.s32 @!p1 $0x7600;
	[tilespmem:$0x35D0] =	vst @!p1 v0  }
.LBB2_3:
0xe5: {  	v0 =	vld @!p1 [tilespmem:s24+$0xFFFFFFF0];
	_ =	sdelay $0x4  }
0xe6: {  	v1 =	vand.u32 @!p1 $0x7FFF, v0  }
0xe7: {  	v0 =	vshra.s32 @!p1 v0, $0xF;
	[tilespmem:$0x3560] =	vst @!p1 v1  }
0xe8: {  	[tilespmem:$0x35E0] =	vst @!p1 v0  }
0xe9: {  	v0 =	vld @!p1 [tilespmem:s24+$0x0];
	_ =	sdelay $0x4  }
0xea: {  	v1 =	vand.u32 @!p1 $0x7FFF, v0  }
0xeb: {  	s23 =	sadd.s32 $0x1, s23;
	v0 =	vshra.s32 @!p1 v0, $0xF;
	[tilespmem:$0x3570] =	vst @!p1 v1  }
0xec: {  	p0 =	sne.s32 s23, s11;
	[tilespmem:$0x35F0] =	vst @!p1 v0  }
0xed: {  	[tilespmem:s31], [sflag:$0x2] =	stream.indirect.gather @!p1 [hbm4b:s4+s29], $0x80, s30, s29, $0xb8;
	[tilespmem:$0x1F600] =	vst v63  }
.Ltmp2:
0xee: {  	[bflag:$0x0] =	sbarrier.arrive $0xFFFF;
	(pc) =	sbr.rel @p0 .LBB2_1-.Ltmp2, $4  }
0xef: {  	[hbm:s10], [sflag:s7] =	dma.local [spmem:s12], $0x2800  }
0xf0: {  	_ =	swait.ge [sflag:s20], $0x2800  }
0xf1: {  	[sflag:s20] =	ssyncset.done $0x0  }
0xf2: {  	[sflag:s20] =	ssyncadd.s32 $0xFFFFD800  }
0xf3: {  	_ =	sfence.sel $0x180000  }
0xf4: {  	[bflag:$0x0] =	sbarrier.arrive $0xFFFF  }
0xf5: {  	p0 =	sne.s32 s1, $0x0;
	_ =	strace $0x90000047  }
0xf6: {  	s0 =	sadd.s32 @!p0 $0x100000, s0;
	[bflag:$0x2] =	sbarrier.arrive $0xFFFF  }
0xf7: {  	[sflag:s0] =	ssyncadd.tile.s32 @!p0 $0x1;
	_ =	shalt  }
.Lfunc_end2:
_tile_overlayer_lowered:
.L_overlay_start_2:
0xf8: {  	(tag) =	ssettag $0x2  }
0xf9: {  	s0 =	rddreg [dreg:$0x0];
	s2 =	stileid.u32  }
0xfa: {  	s1 =	rddreg [dreg:$0x1];
	p0 =	sne.s32 s2, $0x0  }
0xfb: {  	s3 =	rddreg [dreg:$0x2];
	[bflag:$0x3] =	sbarrier.arrive $0xFFFF;
	s2 =	simm.s32 @!p0 $0x1C03  }
0xfc: {  	[timem:s3], [sflag:s2] =	dma.local @!p0 [hbm:s0], s1  }
0xfd: {  	s0 =	simm.s32 @!p0 $0x3  }
0xfe: {  	_ =	swait.ge @!p0 [sflag:s0], s1  }
0xff: {  	s1 =	ssub.s32 @!p0 $0x0, s1;
	[sflag:s0] =	ssyncset.done @!p0 $0x0  }
0x100: {  	[sflag:s0] =	ssyncadd.s32 @!p0 s1  }
0x101: {  	[bflag:$0x3] =	sbarrier.arrive $0xFFFF  }
0x102: {  	_ =	shalt  }

</sc_bundles>
